<compile_context>
chip_gen: v7x
topology: tpu7x:2x2x1
jax: 0.10.2.dev20260603
libtpu: 0.0.44.dev20260713+nightly
codegen_flags: <defaults>
</compile_context>

<pallas_src>
import jax
import jax.numpy as jnp
from jax import lax
from jax.experimental import pallas as pl
from jax.experimental.pallas import tpu as pltpu
from jax.experimental.pallas import tpu_sc as plsc

NUM_NODES = 100000
MEMORY_DIM = 256
BATCH = 16384
L = 16
NC = 2
NS = 16
NW = NC * NS
B_PER_W = BATCH // NW
CH = 16
NCHUNK = B_PER_W // CH
NBUF = 4
U = 16
SCH = 4096
NSC = BATCH // SCH
VPC = SCH // L


def _body(ids_hbm, mem_hbm, out_hbm, my_ids_v, ids_s0, ids_s1, winner_v, rows_v,
          sem_m, sem_i, sem_g, sem_w):
    wid = lax.axis_index("s") * NC + lax.axis_index("c")
    base = wid * B_PER_W
    lanes = lax.iota(jnp.int32, L)

    copy_my = pltpu.make_async_copy(ids_hbm.at[pl.ds(base, B_PER_W)],
                                    my_ids_v, sem_m)
    copy_my.start()

    ids_bufs = (ids_s0, ids_s1)

    def issue_ids(c, b):
        pltpu.make_async_copy(ids_hbm.at[pl.ds(c * SCH, SCH)], ids_bufs[b],
                              sem_i.at[b]).start()

    def wait_ids(b):
        pltpu.make_async_copy(ids_hbm.at[pl.ds(0, SCH)], ids_bufs[b],
                              sem_i.at[b]).wait()

    issue_ids(0, 0)
    issue_ids(1, 1)

    def scan_group(g, carry):
        for b in range(2):
            c = g * 2 + b
            wait_ids(b)

            def scan_inner(h, cc):
                for u in range(U):
                    v = h * U + u
                    ids = ids_bufs[b][pl.ds(v * L, L)]
                    plsc.store_scatter(winner_v, [ids],
                                       lanes + (c * SCH + v * L))
                return cc

            lax.fori_loop(0, VPC // U, scan_inner, 0)

            @pl.when(c + 2 < NSC)
            def _():
                issue_ids(c + 2, b)

        return carry

    lax.fori_loop(0, NSC // 2, scan_group, 0)
    copy_my.wait()

    def issue_gather(k, b):
        ids = my_ids_v[pl.ds(k * L, L)]
        widx = plsc.load_gather(winner_v, [ids])
        pltpu.async_copy(mem_hbm.at[widx], rows_v.at[b], sem_g.at[b])

    def wait_gather(b):
        pltpu.make_async_copy(mem_hbm.at[pl.ds(0, CH)], rows_v.at[b],
                              sem_g.at[b]).wait()

    def start_writeout(k, b):
        pltpu.make_async_copy(rows_v.at[b],
                              out_hbm.at[pl.ds(base + k * CH, CH)],
                              sem_w.at[b]).start()

    def wait_writeout(b):
        pltpu.make_async_copy(rows_v.at[b], out_hbm.at[pl.ds(base, CH)],
                              sem_w.at[b]).wait()

    for b in range(NBUF):
        issue_gather(b, b)

    def gather_group(g, carry):
        for b in range(NBUF):
            k = g * NBUF + b
            wait_gather(b)
            start_writeout(k, b)

            @pl.when(k + NBUF < NCHUNK)
            def _():
                wait_writeout(b)
                issue_gather(k + NBUF, b)

        return carry

    lax.fori_loop(0, NCHUNK // NBUF, gather_group, 0)
    for b in range(NBUF):
        wait_writeout(b)


@jax.jit
def _run(dst_ids, memory):
    mesh = plsc.VectorSubcoreMesh(core_axis_name="c", subcore_axis_name="s")
    return pl.kernel(
        _body,
        out_type=jax.ShapeDtypeStruct((BATCH, MEMORY_DIM), jnp.float32),
        mesh=mesh,
        compiler_params=pltpu.CompilerParams(needs_layout_passes=False),
        scratch_types=[
            pltpu.VMEM((B_PER_W,), jnp.int32),
            pltpu.VMEM((SCH,), jnp.int32),
            pltpu.VMEM((SCH,), jnp.int32),
            pltpu.VMEM((NUM_NODES,), jnp.int32),
            pltpu.VMEM((NBUF, CH, MEMORY_DIM), jnp.float32),
            pltpu.SemaphoreType.DMA,
            pltpu.SemaphoreType.DMA((2,)),
            pltpu.SemaphoreType.DMA((NBUF,)),
            pltpu.SemaphoreType.DMA((NBUF,)),
        ],
    )(dst_ids, memory)


def kernel(memory_store, dst_ids, memory):
    del memory_store
    return _run(dst_ids.astype(jnp.int32), memory)

# --- scband reference (transcript-rebuilt; emitter-appended) ---
"""Pipeline reference for scband-memory-store-86947317940588 (READ-ONLY COPY).

The authoritative reference and input builder live on the scoring server;
editing this copy changes nothing except your own understanding.
"""

import jax, jax.numpy as jnp
import numpy as np

NUM_NODES = 100000
MEMORY_DIM = 256
BATCH = 16384

def setup_inputs(seed: int = 0) -> dict:
    key = jax.random.key(seed)
    k1, k2 = jax.random.split(key)
    dst_ids = jax.random.randint(k1, (BATCH,), 0, NUM_NODES, dtype=jnp.int64 if jax.config.jax_enable_x64 else jnp.int32)
    memory = jax.random.normal(k2, (BATCH, MEMORY_DIM), dtype=jnp.float32)
    memory_store = jnp.zeros((NUM_NODES, MEMORY_DIM), dtype=jnp.float32)
    return {"memory_store": memory_store, "dst_ids": dst_ids, "memory": memory}

def reference(memory_store, dst_ids, memory):
    # set_memory: scatter-overwrite rows of the memory store
    updated_store = memory_store.at[dst_ids].set(memory)
    # get_memory: gather rows back for the same ids
    gathered = updated_store[dst_ids]
    return gathered

if __name__ == "__main__":
    import jax
    _d = setup_inputs()
    print(jax.jit(kernel)(*tuple(_d.values())))

</pallas_src>

<mosaic_0001>
#map = affine_map<(d0, d1) -> (0)>
#map1 = affine_map<(d0, d1) -> (0, 0)>
module attributes {stable_mosaic.version = 14 : i64} {
  func.func @_body(%arg0: i32, %arg1: i32, %arg2: memref<16384xi32, #tpu.memory_space<hbm>>, %arg3: memref<16384x256xf32, #tpu.memory_space<hbm>>, %arg4: memref<16384x256xf32, #tpu.memory_space<hbm>>, %arg5: memref<512xi32, #tpu.memory_space<vmem>>, %arg6: memref<4096xi32, #tpu.memory_space<vmem>>, %arg7: memref<4096xi32, #tpu.memory_space<vmem>>, %arg8: memref<100000xi32, #tpu.memory_space<vmem>>, %arg9: memref<4x16x256xf32, #tpu.memory_space<vmem>>, %arg10: memref<!tpu.dma_semaphore, #tpu.memory_space<semaphore_mem>>, %arg11: memref<2x!tpu.dma_semaphore, #tpu.memory_space<semaphore_mem>>, %arg12: memref<4x!tpu.dma_semaphore, #tpu.memory_space<semaphore_mem>>, %arg13: memref<4x!tpu.dma_semaphore, #tpu.memory_space<semaphore_mem>>) attributes {dimension_semantics = [#tpu.dimension_semantics<core_parallel>, #tpu.dimension_semantics<subcore_parallel>], iteration_bounds = array<i64: 2, 16>, scalar_prefetch = 0 : i64, scratch_operands = 9 : i64, tpu.core_type = #tpu.core_type<sc_vector_subcore>, window_params = [{transform_indices = #map}, {transform_indices = #map1}, {transform_indices = #map1}]} {
    %mul3A = arith.constant 2 : i32
    %mul3A_0 = arith.muli %arg1, %mul3A : i32
    %add3A = arith.addi %mul3A_0, %arg0 : i32
    %mul3A_1 = arith.constant 512 : i32
    %mul3A_2 = arith.muli %add3A, %mul3A_1 : i32
    %iota3A = tpu.iota {dimensions = array<i32: 0>} : vector<16xi32>
    %dma_start3A = tpu.memref_slice %arg2[%mul3A_2] : memref<16384xi32, #tpu.memory_space<hbm>> -> memref<512xi32, #tpu.memory_space<hbm>>
    %dma_start3A_3 = tpu.memref_slice %arg2[%mul3A_2] : memref<16384xi32, #tpu.memory_space<hbm>> -> memref<512xi32, #tpu.memory_space<hbm>>
    tpu.enqueue_dma source(%dma_start3A_3 : memref<512xi32, #tpu.memory_space<hbm>>) target(%arg5 : memref<512xi32, #tpu.memory_space<vmem>>) target_semaphore(%arg10 : memref<!tpu.dma_semaphore, #tpu.memory_space<semaphore_mem>>)
    %dma_start3A_4 = arith.constant 0 : i32
    %dma_start3A_5 = arith.constant 0 : i32
    %dma_start3A_6 = tpu.memref_slice %arg2[%dma_start3A_5] : memref<16384xi32, #tpu.memory_space<hbm>> -> memref<4096xi32, #tpu.memory_space<hbm>>
    %dma_start3A_7 = tpu.memref_slice %arg11[%dma_start3A_4] : memref<2x!tpu.dma_semaphore, #tpu.memory_space<semaphore_mem>> -> memref<1x!tpu.dma_semaphore, #tpu.memory_space<semaphore_mem>>
    %dma_start3A_8 = tpu.memref_squeeze %dma_start3A_7 : memref<1x!tpu.dma_semaphore, #tpu.memory_space<semaphore_mem>> -> memref<!tpu.dma_semaphore, #tpu.memory_space<semaphore_mem>>
    %dma_start3A_9 = arith.constant 0 : i32
    %dma_start3A_10 = tpu.memref_slice %arg2[%dma_start3A_9] : memref<16384xi32, #tpu.memory_space<hbm>> -> memref<4096xi32, #tpu.memory_space<hbm>>
    tpu.enqueue_dma source(%dma_start3A_10 : memref<4096xi32, #tpu.memory_space<hbm>>) target(%arg6 : memref<4096xi32, #tpu.memory_space<vmem>>) target_semaphore(%dma_start3A_8 : memref<!tpu.dma_semaphore, #tpu.memory_space<semaphore_mem>>)
    %dma_start3A_11 = arith.constant 1 : i32
    %dma_start3A_12 = arith.constant 4096 : i32
    %dma_start3A_13 = tpu.memref_slice %arg2[%dma_start3A_12] : memref<16384xi32, #tpu.memory_space<hbm>> -> memref<4096xi32, #tpu.memory_space<hbm>>
    %dma_start3A_14 = tpu.memref_slice %arg11[%dma_start3A_11] : memref<2x!tpu.dma_semaphore, #tpu.memory_space<semaphore_mem>> -> memref<1x!tpu.dma_semaphore, #tpu.memory_space<semaphore_mem>>
    %dma_start3A_15 = tpu.memref_squeeze %dma_start3A_14 : memref<1x!tpu.dma_semaphore, #tpu.memory_space<semaphore_mem>> -> memref<!tpu.dma_semaphore, #tpu.memory_space<semaphore_mem>>
    %dma_start3A_16 = arith.constant 4096 : i32
    %dma_start3A_17 = tpu.memref_slice %arg2[%dma_start3A_16] : memref<16384xi32, #tpu.memory_space<hbm>> -> memref<4096xi32, #tpu.memory_space<hbm>>
    tpu.enqueue_dma source(%dma_start3A_17 : memref<4096xi32, #tpu.memory_space<hbm>>) target(%arg7 : memref<4096xi32, #tpu.memory_space<vmem>>) target_semaphore(%dma_start3A_15 : memref<!tpu.dma_semaphore, #tpu.memory_space<semaphore_mem>>)
    %scan3A = arith.constant 0 : i32
    %scan3A_18 = arith.constant 0 : i32
    %scan3A_19 = arith.constant 2 : i32
    %scan3A_20 = arith.addi %scan3A_18, %scan3A_19 : i32
    %scan3A_21 = arith.constant 1 : i32
    scf.for %scan3A_148 = %scan3A_18 to %scan3A_20 step %scan3A_21  : i32 {
      %mul3A_149 = arith.constant 2 : i32
      %mul3A_150 = arith.muli %scan3A_148, %mul3A_149 : i32
      %add3A_151 = arith.constant 0 : i32
      %add3A_152 = arith.addi %mul3A_150, %add3A_151 : i32
      %dma_wait3A_153 = arith.constant 0 : i32
      %dma_wait3A_154 = arith.constant 0 : i32
      %dma_wait3A_155 = tpu.memref_slice %arg2[%dma_wait3A_154] : memref<16384xi32, #tpu.memory_space<hbm>> -> memref<4096xi32, #tpu.memory_space<hbm>>
      %dma_wait3A_156 = tpu.memref_slice %arg11[%dma_wait3A_153] : memref<2x!tpu.dma_semaphore, #tpu.memory_space<semaphore_mem>> -> memref<1x!tpu.dma_semaphore, #tpu.memory_space<semaphore_mem>>
      %dma_wait3A_157 = tpu.memref_squeeze %dma_wait3A_156 : memref<1x!tpu.dma_semaphore, #tpu.memory_space<semaphore_mem>> -> memref<!tpu.dma_semaphore, #tpu.memory_space<semaphore_mem>>
      %dma_wait3A_158 = arith.constant 0 : i32
      %dma_wait3A_159 = tpu.memref_slice %arg2[%dma_wait3A_158] : memref<16384xi32, #tpu.memory_space<hbm>> -> memref<4096xi32, #tpu.memory_space<hbm>>
      tpu.wait_dma2 semaphore(%dma_wait3A_157 : memref<!tpu.dma_semaphore, #tpu.memory_space<semaphore_mem>>) src(%dma_wait3A_159 : memref<4096xi32, #tpu.memory_space<hbm>>) dst(%arg6 : memref<4096xi32, #tpu.memory_space<vmem>>)
      %scan3A_160 = arith.constant 0 : i32
      %scan3A_161 = arith.constant 0 : i32
      %scan3A_162 = arith.constant 16 : i32
      %scan3A_163 = arith.addi %scan3A_161, %scan3A_162 : i32
      %scan3A_164 = arith.constant 1 : i32
      scf.for %scan3A_194 = %scan3A_161 to %scan3A_163 step %scan3A_164  : i32 {
        %mul3A_195 = arith.constant 16 : i32
        %mul3A_196 = arith.muli %scan3A_194, %mul3A_195 : i32
        %add3A_197 = arith.constant 0 : i32
        %add3A_198 = arith.addi %mul3A_196, %add3A_197 : i32
        %mul3A_199 = arith.constant 16 : i32
        %mul3A_200 = arith.muli %add3A_198, %mul3A_199 : i32
        %get3A_201 = arith.index_cast %mul3A_200 : i32 to index
        %get3A_202 = tpu.vector_load %arg6[%get3A_201] {strides = array<i32>} : memref<4096xi32, #tpu.memory_space<vmem>>, vector<16xi32>,
        %mul3A_203 = arith.constant 4096 : i32
        %mul3A_204 = arith.muli %add3A_152, %mul3A_203 : i32
        %mul3A_205 = arith.constant 16 : i32
        %mul3A_206 = arith.muli %add3A_198, %mul3A_205 : i32
        %add3A_207 = arith.addi %mul3A_204, %mul3A_206 : i32
        %add3A_208 = vector.broadcast %add3A_207 : i32 to vector<16xi32>
        %add3A_209 = arith.addi %iota3A, %add3A_208 : vector<16xi32>
        tpu.vector_store_idx %arg8[%get3A_202], %add3A_209 : memref<100000xi32, #tpu.memory_space<vmem>>[vector<16xi32>], vector<16xi32>,
        %mul3A_210 = arith.constant 16 : i32
        %mul3A_211 = arith.muli %scan3A_194, %mul3A_210 : i32
        %add3A_212 = arith.constant 1 : i32
        %add3A_213 = arith.addi %mul3A_211, %add3A_212 : i32
        %mul3A_214 = arith.constant 16 : i32
        %mul3A_215 = arith.muli %add3A_213, %mul3A_214 : i32
        %get3A_216 = arith.index_cast %mul3A_215 : i32 to index
        %get3A_217 = tpu.vector_load %arg6[%get3A_216] {strides = array<i32>} : memref<4096xi32, #tpu.memory_space<vmem>>, vector<16xi32>,
        %mul3A_218 = arith.constant 4096 : i32
        %mul3A_219 = arith.muli %add3A_152, %mul3A_218 : i32
        %mul3A_220 = arith.constant 16 : i32
        %mul3A_221 = arith.muli %add3A_213, %mul3A_220 : i32
        %add3A_222 = arith.addi %mul3A_219, %mul3A_221 : i32
        %add3A_223 = vector.broadcast %add3A_222 : i32 to vector<16xi32>
        %add3A_224 = arith.addi %iota3A, %add3A_223 : vector<16xi32>
        tpu.vector_store_idx %arg8[%get3A_217], %add3A_224 : memref<100000xi32, #tpu.memory_space<vmem>>[vector<16xi32>], vector<16xi32>,
        %mul3A_225 = arith.constant 16 : i32
        %mul3A_226 = arith.muli %scan3A_194, %mul3A_225 : i32
        %add3A_227 = arith.constant 2 : i32
        %add3A_228 = arith.addi %mul3A_226, %add3A_227 : i32
        %mul3A_229 = arith.constant 16 : i32
        %mul3A_230 = arith.muli %add3A_228, %mul3A_229 : i32
        %get3A_231 = arith.index_cast %mul3A_230 : i32 to index
        %get3A_232 = tpu.vector_load %arg6[%get3A_231] {strides = array<i32>} : memref<4096xi32, #tpu.memory_space<vmem>>, vector<16xi32>,
        %mul3A_233 = arith.constant 4096 : i32
        %mul3A_234 = arith.muli %add3A_152, %mul3A_233 : i32
        %mul3A_235 = arith.constant 16 : i32
        %mul3A_236 = arith.muli %add3A_228, %mul3A_235 : i32
        %add3A_237 = arith.addi %mul3A_234, %mul3A_236 : i32
        %add3A_238 = vector.broadcast %add3A_237 : i32 to vector<16xi32>
        %add3A_239 = arith.addi %iota3A, %add3A_238 : vector<16xi32>
        tpu.vector_store_idx %arg8[%get3A_232], %add3A_239 : memref<100000xi32, #tpu.memory_space<vmem>>[vector<16xi32>], vector<16xi32>,
        %mul3A_240 = arith.constant 16 : i32
        %mul3A_241 = arith.muli %scan3A_194, %mul3A_240 : i32
        %add3A_242 = arith.constant 3 : i32
        %add3A_243 = arith.addi %mul3A_241, %add3A_242 : i32
        %mul3A_244 = arith.constant 16 : i32
        %mul3A_245 = arith.muli %add3A_243, %mul3A_244 : i32
        %get3A_246 = arith.index_cast %mul3A_245 : i32 to index
        %get3A_247 = tpu.vector_load %arg6[%get3A_246] {strides = array<i32>} : memref<4096xi32, #tpu.memory_space<vmem>>, vector<16xi32>,
        %mul3A_248 = arith.constant 4096 : i32
        %mul3A_249 = arith.muli %add3A_152, %mul3A_248 : i32
        %mul3A_250 = arith.constant 16 : i32
        %mul3A_251 = arith.muli %add3A_243, %mul3A_250 : i32
        %add3A_252 = arith.addi %mul3A_249, %mul3A_251 : i32
        %add3A_253 = vector.broadcast %add3A_252 : i32 to vector<16xi32>
        %add3A_254 = arith.addi %iota3A, %add3A_253 : vector<16xi32>
        tpu.vector_store_idx %arg8[%get3A_247], %add3A_254 : memref<100000xi32, #tpu.memory_space<vmem>>[vector<16xi32>], vector<16xi32>,
        %mul3A_255 = arith.constant 16 : i32
        %mul3A_256 = arith.muli %scan3A_194, %mul3A_255 : i32
        %add3A_257 = arith.constant 4 : i32
        %add3A_258 = arith.addi %mul3A_256, %add3A_257 : i32
        %mul3A_259 = arith.constant 16 : i32
        %mul3A_260 = arith.muli %add3A_258, %mul3A_259 : i32
        %get3A_261 = arith.index_cast %mul3A_260 : i32 to index
        %get3A_262 = tpu.vector_load %arg6[%get3A_261] {strides = array<i32>} : memref<4096xi32, #tpu.memory_space<vmem>>, vector<16xi32>,
        %mul3A_263 = arith.constant 4096 : i32
        %mul3A_264 = arith.muli %add3A_152, %mul3A_263 : i32
        %mul3A_265 = arith.constant 16 : i32
        %mul3A_266 = arith.muli %add3A_258, %mul3A_265 : i32
        %add3A_267 = arith.addi %mul3A_264, %mul3A_266 : i32
        %add3A_268 = vector.broadcast %add3A_267 : i32 to vector<16xi32>
        %add3A_269 = arith.addi %iota3A, %add3A_268 : vector<16xi32>
        tpu.vector_store_idx %arg8[%get3A_262], %add3A_269 : memref<100000xi32, #tpu.memory_space<vmem>>[vector<16xi32>], vector<16xi32>,
        %mul3A_270 = arith.constant 16 : i32
        %mul3A_271 = arith.muli %scan3A_194, %mul3A_270 : i32
        %add3A_272 = arith.constant 5 : i32
        %add3A_273 = arith.addi %mul3A_271, %add3A_272 : i32
        %mul3A_274 = arith.constant 16 : i32
        %mul3A_275 = arith.muli %add3A_273, %mul3A_274 : i32
        %get3A_276 = arith.index_cast %mul3A_275 : i32 to index
        %get3A_277 = tpu.vector_load %arg6[%get3A_276] {strides = array<i32>} : memref<4096xi32, #tpu.memory_space<vmem>>, vector<16xi32>,
        %mul3A_278 = arith.constant 4096 : i32
        %mul3A_279 = arith.muli %add3A_152, %mul3A_278 : i32
        %mul3A_280 = arith.constant 16 : i32
        %mul3A_281 = arith.muli %add3A_273, %mul3A_280 : i32
        %add3A_282 = arith.addi %mul3A_279, %mul3A_281 : i32
        %add3A_283 = vector.broadcast %add3A_282 : i32 to vector<16xi32>
        %add3A_284 = arith.addi %iota3A, %add3A_283 : vector<16xi32>
        tpu.vector_store_idx %arg8[%get3A_277], %add3A_284 : memref<100000xi32, #tpu.memory_space<vmem>>[vector<16xi32>], vector<16xi32>,
        %mul3A_285 = arith.constant 16 : i32
        %mul3A_286 = arith.muli %scan3A_194, %mul3A_285 : i32
        %add3A_287 = arith.constant 6 : i32
        %add3A_288 = arith.addi %mul3A_286, %add3A_287 : i32
        %mul3A_289 = arith.constant 16 : i32
        %mul3A_290 = arith.muli %add3A_288, %mul3A_289 : i32
        %get3A_291 = arith.index_cast %mul3A_290 : i32 to index
        %get3A_292 = tpu.vector_load %arg6[%get3A_291] {strides = array<i32>} : memref<4096xi32, #tpu.memory_space<vmem>>, vector<16xi32>,
        %mul3A_293 = arith.constant 4096 : i32
        %mul3A_294 = arith.muli %add3A_152, %mul3A_293 : i32
        %mul3A_295 = arith.constant 16 : i32
        %mul3A_296 = arith.muli %add3A_288, %mul3A_295 : i32
        %add3A_297 = arith.addi %mul3A_294, %mul3A_296 : i32
        %add3A_298 = vector.broadcast %add3A_297 : i32 to vector<16xi32>
        %add3A_299 = arith.addi %iota3A, %add3A_298 : vector<16xi32>
        tpu.vector_store_idx %arg8[%get3A_292], %add3A_299 : memref<100000xi32, #tpu.memory_space<vmem>>[vector<16xi32>], vector<16xi32>,
        %mul3A_300 = arith.constant 16 : i32
        %mul3A_301 = arith.muli %scan3A_194, %mul3A_300 : i32
        %add3A_302 = arith.constant 7 : i32
        %add3A_303 = arith.addi %mul3A_301, %add3A_302 : i32
        %mul3A_304 = arith.constant 16 : i32
        %mul3A_305 = arith.muli %add3A_303, %mul3A_304 : i32
        %get3A_306 = arith.index_cast %mul3A_305 : i32 to index
        %get3A_307 = tpu.vector_load %arg6[%get3A_306] {strides = array<i32>} : memref<4096xi32, #tpu.memory_space<vmem>>, vector<16xi32>,
        %mul3A_308 = arith.constant 4096 : i32
        %mul3A_309 = arith.muli %add3A_152, %mul3A_308 : i32
        %mul3A_310 = arith.constant 16 : i32
        %mul3A_311 = arith.muli %add3A_303, %mul3A_310 : i32
        %add3A_312 = arith.addi %mul3A_309, %mul3A_311 : i32
        %add3A_313 = vector.broadcast %add3A_312 : i32 to vector<16xi32>
        %add3A_314 = arith.addi %iota3A, %add3A_313 : vector<16xi32>
        tpu.vector_store_idx %arg8[%get3A_307], %add3A_314 : memref<100000xi32, #tpu.memory_space<vmem>>[vector<16xi32>], vector<16xi32>,
        %mul3A_315 = arith.constant 16 : i32
        %mul3A_316 = arith.muli %scan3A_194, %mul3A_315 : i32
        %add3A_317 = arith.constant 8 : i32
        %add3A_318 = arith.addi %mul3A_316, %add3A_317 : i32
        %mul3A_319 = arith.constant 16 : i32
        %mul3A_320 = arith.muli %add3A_318, %mul3A_319 : i32
        %get3A_321 = arith.index_cast %mul3A_320 : i32 to index
        %get3A_322 = tpu.vector_load %arg6[%get3A_321] {strides = array<i32>} : memref<4096xi32, #tpu.memory_space<vmem>>, vector<16xi32>,
        %mul3A_323 = arith.constant 4096 : i32
        %mul3A_324 = arith.muli %add3A_152, %mul3A_323 : i32
        %mul3A_325 = arith.constant 16 : i32
        %mul3A_326 = arith.muli %add3A_318, %mul3A_325 : i32
        %add3A_327 = arith.addi %mul3A_324, %mul3A_326 : i32
        %add3A_328 = vector.broadcast %add3A_327 : i32 to vector<16xi32>
        %add3A_329 = arith.addi %iota3A, %add3A_328 : vector<16xi32>
        tpu.vector_store_idx %arg8[%get3A_322], %add3A_329 : memref<100000xi32, #tpu.memory_space<vmem>>[vector<16xi32>], vector<16xi32>,
        %mul3A_330 = arith.constant 16 : i32
        %mul3A_331 = arith.muli %scan3A_194, %mul3A_330 : i32
        %add3A_332 = arith.constant 9 : i32
        %add3A_333 = arith.addi %mul3A_331, %add3A_332 : i32
        %mul3A_334 = arith.constant 16 : i32
        %mul3A_335 = arith.muli %add3A_333, %mul3A_334 : i32
        %get3A_336 = arith.index_cast %mul3A_335 : i32 to index
        %get3A_337 = tpu.vector_load %arg6[%get3A_336] {strides = array<i32>} : memref<4096xi32, #tpu.memory_space<vmem>>, vector<16xi32>,
        %mul3A_338 = arith.constant 4096 : i32
        %mul3A_339 = arith.muli %add3A_152, %mul3A_338 : i32
        %mul3A_340 = arith.constant 16 : i32
        %mul3A_341 = arith.muli %add3A_333, %mul3A_340 : i32
        %add3A_342 = arith.addi %mul3A_339, %mul3A_341 : i32
        %add3A_343 = vector.broadcast %add3A_342 : i32 to vector<16xi32>
        %add3A_344 = arith.addi %iota3A, %add3A_343 : vector<16xi32>
        tpu.vector_store_idx %arg8[%get3A_337], %add3A_344 : memref<100000xi32, #tpu.memory_space<vmem>>[vector<16xi32>], vector<16xi32>,
        %mul3A_345 = arith.constant 16 : i32
        %mul3A_346 = arith.muli %scan3A_194, %mul3A_345 : i32
        %add3A_347 = arith.constant 10 : i32
        %add3A_348 = arith.addi %mul3A_346, %add3A_347 : i32
        %mul3A_349 = arith.constant 16 : i32
        %mul3A_350 = arith.muli %add3A_348, %mul3A_349 : i32
        %get3A_351 = arith.index_cast %mul3A_350 : i32 to index
        %get3A_352 = tpu.vector_load %arg6[%get3A_351] {strides = array<i32>} : memref<4096xi32, #tpu.memory_space<vmem>>, vector<16xi32>,
        %mul3A_353 = arith.constant 4096 : i32
        %mul3A_354 = arith.muli %add3A_152, %mul3A_353 : i32
        %mul3A_355 = arith.constant 16 : i32
        %mul3A_356 = arith.muli %add3A_348, %mul3A_355 : i32
        %add3A_357 = arith.addi %mul3A_354, %mul3A_356 : i32
        %add3A_358 = vector.broadcast %add3A_357 : i32 to vector<16xi32>
        %add3A_359 = arith.addi %iota3A, %add3A_358 : vector<16xi32>
        tpu.vector_store_idx %arg8[%get3A_352], %add3A_359 : memref<100000xi32, #tpu.memory_space<vmem>>[vector<16xi32>], vector<16xi32>,
        %mul3A_360 = arith.constant 16 : i32
        %mul3A_361 = arith.muli %scan3A_194, %mul3A_360 : i32
        %add3A_362 = arith.constant 11 : i32
        %add3A_363 = arith.addi %mul3A_361, %add3A_362 : i32
        %mul3A_364 = arith.constant 16 : i32
        %mul3A_365 = arith.muli %add3A_363, %mul3A_364 : i32
        %get3A_366 = arith.index_cast %mul3A_365 : i32 to index
        %get3A_367 = tpu.vector_load %arg6[%get3A_366] {strides = array<i32>} : memref<4096xi32, #tpu.memory_space<vmem>>, vector<16xi32>,
        %mul3A_368 = arith.constant 4096 : i32
        %mul3A_369 = arith.muli %add3A_152, %mul3A_368 : i32
        %mul3A_370 = arith.constant 16 : i32
        %mul3A_371 = arith.muli %add3A_363, %mul3A_370 : i32
        %add3A_372 = arith.addi %mul3A_369, %mul3A_371 : i32
        %add3A_373 = vector.broadcast %add3A_372 : i32 to vector<16xi32>
        %add3A_374 = arith.addi %iota3A, %add3A_373 : vector<16xi32>
        tpu.vector_store_idx %arg8[%get3A_367], %add3A_374 : memref<100000xi32, #tpu.memory_space<vmem>>[vector<16xi32>], vector<16xi32>,
        %mul3A_375 = arith.constant 16 : i32
        %mul3A_376 = arith.muli %scan3A_194, %mul3A_375 : i32
        %add3A_377 = arith.constant 12 : i32
        %add3A_378 = arith.addi %mul3A_376, %add3A_377 : i32
        %mul3A_379 = arith.constant 16 : i32
        %mul3A_380 = arith.muli %add3A_378, %mul3A_379 : i32
        %get3A_381 = arith.index_cast %mul3A_380 : i32 to index
        %get3A_382 = tpu.vector_load %arg6[%get3A_381] {strides = array<i32>} : memref<4096xi32, #tpu.memory_space<vmem>>, vector<16xi32>,
        %mul3A_383 = arith.constant 4096 : i32
        %mul3A_384 = arith.muli %add3A_152, %mul3A_383 : i32
        %mul3A_385 = arith.constant 16 : i32
        %mul3A_386 = arith.muli %add3A_378, %mul3A_385 : i32
        %add3A_387 = arith.addi %mul3A_384, %mul3A_386 : i32
        %add3A_388 = vector.broadcast %add3A_387 : i32 to vector<16xi32>
        %add3A_389 = arith.addi %iota3A, %add3A_388 : vector<16xi32>
        tpu.vector_store_idx %arg8[%get3A_382], %add3A_389 : memref<100000xi32, #tpu.memory_space<vmem>>[vector<16xi32>], vector<16xi32>,
        %mul3A_390 = arith.constant 16 : i32
        %mul3A_391 = arith.muli %scan3A_194, %mul3A_390 : i32
        %add3A_392 = arith.constant 13 : i32
        %add3A_393 = arith.addi %mul3A_391, %add3A_392 : i32
        %mul3A_394 = arith.constant 16 : i32
        %mul3A_395 = arith.muli %add3A_393, %mul3A_394 : i32
        %get3A_396 = arith.index_cast %mul3A_395 : i32 to index
        %get3A_397 = tpu.vector_load %arg6[%get3A_396] {strides = array<i32>} : memref<4096xi32, #tpu.memory_space<vmem>>, vector<16xi32>,
        %mul3A_398 = arith.constant 4096 : i32
        %mul3A_399 = arith.muli %add3A_152, %mul3A_398 : i32
        %mul3A_400 = arith.constant 16 : i32
        %mul3A_401 = arith.muli %add3A_393, %mul3A_400 : i32
        %add3A_402 = arith.addi %mul3A_399, %mul3A_401 : i32
        %add3A_403 = vector.broadcast %add3A_402 : i32 to vector<16xi32>
        %add3A_404 = arith.addi %iota3A, %add3A_403 : vector<16xi32>
        tpu.vector_store_idx %arg8[%get3A_397], %add3A_404 : memref<100000xi32, #tpu.memory_space<vmem>>[vector<16xi32>], vector<16xi32>,
        %mul3A_405 = arith.constant 16 : i32
        %mul3A_406 = arith.muli %scan3A_194, %mul3A_405 : i32
        %add3A_407 = arith.constant 14 : i32
        %add3A_408 = arith.addi %mul3A_406, %add3A_407 : i32
        %mul3A_409 = arith.constant 16 : i32
        %mul3A_410 = arith.muli %add3A_408, %mul3A_409 : i32
        %get3A_411 = arith.index_cast %mul3A_410 : i32 to index
        %get3A_412 = tpu.vector_load %arg6[%get3A_411] {strides = array<i32>} : memref<4096xi32, #tpu.memory_space<vmem>>, vector<16xi32>,
        %mul3A_413 = arith.constant 4096 : i32
        %mul3A_414 = arith.muli %add3A_152, %mul3A_413 : i32
        %mul3A_415 = arith.constant 16 : i32
        %mul3A_416 = arith.muli %add3A_408, %mul3A_415 : i32
        %add3A_417 = arith.addi %mul3A_414, %mul3A_416 : i32
        %add3A_418 = vector.broadcast %add3A_417 : i32 to vector<16xi32>
        %add3A_419 = arith.addi %iota3A, %add3A_418 : vector<16xi32>
        tpu.vector_store_idx %arg8[%get3A_412], %add3A_419 : memref<100000xi32, #tpu.memory_space<vmem>>[vector<16xi32>], vector<16xi32>,
        %mul3A_420 = arith.constant 16 : i32
        %mul3A_421 = arith.muli %scan3A_194, %mul3A_420 : i32
        %add3A_422 = arith.constant 15 : i32
        %add3A_423 = arith.addi %mul3A_421, %add3A_422 : i32
        %mul3A_424 = arith.constant 16 : i32
        %mul3A_425 = arith.muli %add3A_423, %mul3A_424 : i32
        %get3A_426 = arith.index_cast %mul3A_425 : i32 to index
        %get3A_427 = tpu.vector_load %arg6[%get3A_426] {strides = array<i32>} : memref<4096xi32, #tpu.memory_space<vmem>>, vector<16xi32>,
        %mul3A_428 = arith.constant 4096 : i32
        %mul3A_429 = arith.muli %add3A_152, %mul3A_428 : i32
        %mul3A_430 = arith.constant 16 : i32
        %mul3A_431 = arith.muli %add3A_423, %mul3A_430 : i32
        %add3A_432 = arith.addi %mul3A_429, %mul3A_431 : i32
        %add3A_433 = vector.broadcast %add3A_432 : i32 to vector<16xi32>
        %add3A_434 = arith.addi %iota3A, %add3A_433 : vector<16xi32>
        tpu.vector_store_idx %arg8[%get3A_427], %add3A_434 : memref<100000xi32, #tpu.memory_space<vmem>>[vector<16xi32>], vector<16xi32>,
      }
      %scan3A_165 = arith.constant 16 : i32
      %add3A_166 = arith.constant 2 : i32
      %add3A_167 = arith.addi %add3A_152, %add3A_166 : i32
      %lt3A = arith.constant 4 : i32
      %lt3A_168 = arith.cmpi slt, %add3A_167, %lt3A : i32
      %convert_element_type3A = arith.extui %lt3A_168 : i1 to i32
      %cond3A = arith.constant 0 : i32
      %cond3A_169 = arith.cmpi ne, %convert_element_type3A, %cond3A : i32
      scf.if %cond3A_169 {
        %add3A_194 = arith.constant 2 : i32
        %add3A_195 = arith.addi %add3A_152, %add3A_194 : i32
        %mul3A_196 = arith.constant 4096 : i32
        %mul3A_197 = arith.muli %add3A_195, %mul3A_196 : i32
        %dma_start3A_198 = arith.constant 0 : i32
        %dma_start3A_199 = tpu.memref_slice %arg2[%mul3A_197] : memref<16384xi32, #tpu.memory_space<hbm>> -> memref<4096xi32, #tpu.memory_space<hbm>>
        %dma_start3A_200 = tpu.memref_slice %arg11[%dma_start3A_198] : memref<2x!tpu.dma_semaphore, #tpu.memory_space<semaphore_mem>> -> memref<1x!tpu.dma_semaphore, #tpu.memory_space<semaphore_mem>>
        %dma_start3A_201 = tpu.memref_squeeze %dma_start3A_200 : memref<1x!tpu.dma_semaphore, #tpu.memory_space<semaphore_mem>> -> memref<!tpu.dma_semaphore, #tpu.memory_space<semaphore_mem>>
        %dma_start3A_202 = tpu.memref_slice %arg2[%mul3A_197] : memref<16384xi32, #tpu.memory_space<hbm>> -> memref<4096xi32, #tpu.memory_space<hbm>>
        tpu.enqueue_dma source(%dma_start3A_202 : memref<4096xi32, #tpu.memory_space<hbm>>) target(%arg6 : memref<4096xi32, #tpu.memory_space<vmem>>) target_semaphore(%dma_start3A_201 : memref<!tpu.dma_semaphore, #tpu.memory_space<semaphore_mem>>)
      } else {
      }
      %mul3A_170 = arith.constant 2 : i32
      %mul3A_171 = arith.muli %scan3A_148, %mul3A_170 : i32
      %add3A_172 = arith.constant 1 : i32
      %add3A_173 = arith.addi %mul3A_171, %add3A_172 : i32
      %dma_wait3A_174 = arith.constant 1 : i32
      %dma_wait3A_175 = arith.constant 0 : i32
      %dma_wait3A_176 = tpu.memref_slice %arg2[%dma_wait3A_175] : memref<16384xi32, #tpu.memory_space<hbm>> -> memref<4096xi32, #tpu.memory_space<hbm>>
      %dma_wait3A_177 = tpu.memref_slice %arg11[%dma_wait3A_174] : memref<2x!tpu.dma_semaphore, #tpu.memory_space<semaphore_mem>> -> memref<1x!tpu.dma_semaphore, #tpu.memory_space<semaphore_mem>>
      %dma_wait3A_178 = tpu.memref_squeeze %dma_wait3A_177 : memref<1x!tpu.dma_semaphore, #tpu.memory_space<semaphore_mem>> -> memref<!tpu.dma_semaphore, #tpu.memory_space<semaphore_mem>>
      %dma_wait3A_179 = arith.constant 0 : i32
      %dma_wait3A_180 = tpu.memref_slice %arg2[%dma_wait3A_179] : memref<16384xi32, #tpu.memory_space<hbm>> -> memref<4096xi32, #tpu.memory_space<hbm>>
      tpu.wait_dma2 semaphore(%dma_wait3A_178 : memref<!tpu.dma_semaphore, #tpu.memory_space<semaphore_mem>>) src(%dma_wait3A_180 : memref<4096xi32, #tpu.memory_space<hbm>>) dst(%arg7 : memref<4096xi32, #tpu.memory_space<vmem>>)
      %scan3A_181 = arith.constant 0 : i32
      %scan3A_182 = arith.constant 0 : i32
      %scan3A_183 = arith.constant 16 : i32
      %scan3A_184 = arith.addi %scan3A_182, %scan3A_183 : i32
      %scan3A_185 = arith.constant 1 : i32
      scf.for %scan3A_194 = %scan3A_182 to %scan3A_184 step %scan3A_185  : i32 {
        %mul3A_195 = arith.constant 16 : i32
        %mul3A_196 = arith.muli %scan3A_194, %mul3A_195 : i32
        %add3A_197 = arith.constant 0 : i32
        %add3A_198 = arith.addi %mul3A_196, %add3A_197 : i32
        %mul3A_199 = arith.constant 16 : i32
        %mul3A_200 = arith.muli %add3A_198, %mul3A_199 : i32
        %get3A_201 = arith.index_cast %mul3A_200 : i32 to index
        %get3A_202 = tpu.vector_load %arg7[%get3A_201] {strides = array<i32>} : memref<4096xi32, #tpu.memory_space<vmem>>, vector<16xi32>,
        %mul3A_203 = arith.constant 4096 : i32
        %mul3A_204 = arith.muli %add3A_173, %mul3A_203 : i32
        %mul3A_205 = arith.constant 16 : i32
        %mul3A_206 = arith.muli %add3A_198, %mul3A_205 : i32
        %add3A_207 = arith.addi %mul3A_204, %mul3A_206 : i32
        %add3A_208 = vector.broadcast %add3A_207 : i32 to vector<16xi32>
        %add3A_209 = arith.addi %iota3A, %add3A_208 : vector<16xi32>
        tpu.vector_store_idx %arg8[%get3A_202], %add3A_209 : memref<100000xi32, #tpu.memory_space<vmem>>[vector<16xi32>], vector<16xi32>,
        %mul3A_210 = arith.constant 16 : i32
        %mul3A_211 = arith.muli %scan3A_194, %mul3A_210 : i32
        %add3A_212 = arith.constant 1 : i32
        %add3A_213 = arith.addi %mul3A_211, %add3A_212 : i32
        %mul3A_214 = arith.constant 16 : i32
        %mul3A_215 = arith.muli %add3A_213, %mul3A_214 : i32
        %get3A_216 = arith.index_cast %mul3A_215 : i32 to index
        %get3A_217 = tpu.vector_load %arg7[%get3A_216] {strides = array<i32>} : memref<4096xi32, #tpu.memory_space<vmem>>, vector<16xi32>,
        %mul3A_218 = arith.constant 4096 : i32
        %mul3A_219 = arith.muli %add3A_173, %mul3A_218 : i32
        %mul3A_220 = arith.constant 16 : i32
        %mul3A_221 = arith.muli %add3A_213, %mul3A_220 : i32
        %add3A_222 = arith.addi %mul3A_219, %mul3A_221 : i32
        %add3A_223 = vector.broadcast %add3A_222 : i32 to vector<16xi32>
        %add3A_224 = arith.addi %iota3A, %add3A_223 : vector<16xi32>
        tpu.vector_store_idx %arg8[%get3A_217], %add3A_224 : memref<100000xi32, #tpu.memory_space<vmem>>[vector<16xi32>], vector<16xi32>,
        %mul3A_225 = arith.constant 16 : i32
        %mul3A_226 = arith.muli %scan3A_194, %mul3A_225 : i32
        %add3A_227 = arith.constant 2 : i32
        %add3A_228 = arith.addi %mul3A_226, %add3A_227 : i32
        %mul3A_229 = arith.constant 16 : i32
        %mul3A_230 = arith.muli %add3A_228, %mul3A_229 : i32
        %get3A_231 = arith.index_cast %mul3A_230 : i32 to index
        %get3A_232 = tpu.vector_load %arg7[%get3A_231] {strides = array<i32>} : memref<4096xi32, #tpu.memory_space<vmem>>, vector<16xi32>,
        %mul3A_233 = arith.constant 4096 : i32
        %mul3A_234 = arith.muli %add3A_173, %mul3A_233 : i32
        %mul3A_235 = arith.constant 16 : i32
        %mul3A_236 = arith.muli %add3A_228, %mul3A_235 : i32
        %add3A_237 = arith.addi %mul3A_234, %mul3A_236 : i32
        %add3A_238 = vector.broadcast %add3A_237 : i32 to vector<16xi32>
        %add3A_239 = arith.addi %iota3A, %add3A_238 : vector<16xi32>
        tpu.vector_store_idx %arg8[%get3A_232], %add3A_239 : memref<100000xi32, #tpu.memory_space<vmem>>[vector<16xi32>], vector<16xi32>,
        %mul3A_240 = arith.constant 16 : i32
        %mul3A_241 = arith.muli %scan3A_194, %mul3A_240 : i32
        %add3A_242 = arith.constant 3 : i32
        %add3A_243 = arith.addi %mul3A_241, %add3A_242 : i32
        %mul3A_244 = arith.constant 16 : i32
        %mul3A_245 = arith.muli %add3A_243, %mul3A_244 : i32
        %get3A_246 = arith.index_cast %mul3A_245 : i32 to index
        %get3A_247 = tpu.vector_load %arg7[%get3A_246] {strides = array<i32>} : memref<4096xi32, #tpu.memory_space<vmem>>, vector<16xi32>,
        %mul3A_248 = arith.constant 4096 : i32
        %mul3A_249 = arith.muli %add3A_173, %mul3A_248 : i32
        %mul3A_250 = arith.constant 16 : i32
        %mul3A_251 = arith.muli %add3A_243, %mul3A_250 : i32
        %add3A_252 = arith.addi %mul3A_249, %mul3A_251 : i32
        %add3A_253 = vector.broadcast %add3A_252 : i32 to vector<16xi32>
        %add3A_254 = arith.addi %iota3A, %add3A_253 : vector<16xi32>
        tpu.vector_store_idx %arg8[%get3A_247], %add3A_254 : memref<100000xi32, #tpu.memory_space<vmem>>[vector<16xi32>], vector<16xi32>,
        %mul3A_255 = arith.constant 16 : i32
        %mul3A_256 = arith.muli %scan3A_194, %mul3A_255 : i32
        %add3A_257 = arith.constant 4 : i32
        %add3A_258 = arith.addi %mul3A_256, %add3A_257 : i32
        %mul3A_259 = arith.constant 16 : i32
        %mul3A_260 = arith.muli %add3A_258, %mul3A_259 : i32
        %get3A_261 = arith.index_cast %mul3A_260 : i32 to index
        %get3A_262 = tpu.vector_load %arg7[%get3A_261] {strides = array<i32>} : memref<4096xi32, #tpu.memory_space<vmem>>, vector<16xi32>,
        %mul3A_263 = arith.constant 4096 : i32
        %mul3A_264 = arith.muli %add3A_173, %mul3A_263 : i32
        %mul3A_265 = arith.constant 16 : i32
        %mul3A_266 = arith.muli %add3A_258, %mul3A_265 : i32
        %add3A_267 = arith.addi %mul3A_264, %mul3A_266 : i32
        %add3A_268 = vector.broadcast %add3A_267 : i32 to vector<16xi32>
        %add3A_269 = arith.addi %iota3A, %add3A_268 : vector<16xi32>
        tpu.vector_store_idx %arg8[%get3A_262], %add3A_269 : memref<100000xi32, #tpu.memory_space<vmem>>[vector<16xi32>], vector<16xi32>,
        %mul3A_270 = arith.constant 16 : i32
        %mul3A_271 = arith.muli %scan3A_194, %mul3A_270 : i32
        %add3A_272 = arith.constant 5 : i32
        %add3A_273 = arith.addi %mul3A_271, %add3A_272 : i32
        %mul3A_274 = arith.constant 16 : i32
        %mul3A_275 = arith.muli %add3A_273, %mul3A_274 : i32
        %get3A_276 = arith.index_cast %mul3A_275 : i32 to index
        %get3A_277 = tpu.vector_load %arg7[%get3A_276] {strides = array<i32>} : memref<4096xi32, #tpu.memory_space<vmem>>, vector<16xi32>,
        %mul3A_278 = arith.constant 4096 : i32
        %mul3A_279 = arith.muli %add3A_173, %mul3A_278 : i32
        %mul3A_280 = arith.constant 16 : i32
        %mul3A_281 = arith.muli %add3A_273, %mul3A_280 : i32
        %add3A_282 = arith.addi %mul3A_279, %mul3A_281 : i32
        %add3A_283 = vector.broadcast %add3A_282 : i32 to vector<16xi32>
        %add3A_284 = arith.addi %iota3A, %add3A_283 : vector<16xi32>
        tpu.vector_store_idx %arg8[%get3A_277], %add3A_284 : memref<100000xi32, #tpu.memory_space<vmem>>[vector<16xi32>], vector<16xi32>,
        %mul3A_285 = arith.constant 16 : i32
        %mul3A_286 = arith.muli %scan3A_194, %mul3A_285 : i32
        %add3A_287 = arith.constant 6 : i32
        %add3A_288 = arith.addi %mul3A_286, %add3A_287 : i32
        %mul3A_289 = arith.constant 16 : i32
        %mul3A_290 = arith.muli %add3A_288, %mul3A_289 : i32
        %get3A_291 = arith.index_cast %mul3A_290 : i32 to index
        %get3A_292 = tpu.vector_load %arg7[%get3A_291] {strides = array<i32>} : memref<4096xi32, #tpu.memory_space<vmem>>, vector<16xi32>,
        %mul3A_293 = arith.constant 4096 : i32
        %mul3A_294 = arith.muli %add3A_173, %mul3A_293 : i32
        %mul3A_295 = arith.constant 16 : i32
        %mul3A_296 = arith.muli %add3A_288, %mul3A_295 : i32
        %add3A_297 = arith.addi %mul3A_294, %mul3A_296 : i32
        %add3A_298 = vector.broadcast %add3A_297 : i32 to vector<16xi32>
        %add3A_299 = arith.addi %iota3A, %add3A_298 : vector<16xi32>
        tpu.vector_store_idx %arg8[%get3A_292], %add3A_299 : memref<100000xi32, #tpu.memory_space<vmem>>[vector<16xi32>], vector<16xi32>,
        %mul3A_300 = arith.constant 16 : i32
        %mul3A_301 = arith.muli %scan3A_194, %mul3A_300 : i32
        %add3A_302 = arith.constant 7 : i32
        %add3A_303 = arith.addi %mul3A_301, %add3A_302 : i32
        %mul3A_304 = arith.constant 16 : i32
        %mul3A_305 = arith.muli %add3A_303, %mul3A_304 : i32
        %get3A_306 = arith.index_cast %mul3A_305 : i32 to index
        %get3A_307 = tpu.vector_load %arg7[%get3A_306] {strides = array<i32>} : memref<4096xi32, #tpu.memory_space<vmem>>, vector<16xi32>,
        %mul3A_308 = arith.constant 4096 : i32
        %mul3A_309 = arith.muli %add3A_173, %mul3A_308 : i32
        %mul3A_310 = arith.constant 16 : i32
        %mul3A_311 = arith.muli %add3A_303, %mul3A_310 : i32
        %add3A_312 = arith.addi %mul3A_309, %mul3A_311 : i32
        %add3A_313 = vector.broadcast %add3A_312 : i32 to vector<16xi32>
        %add3A_314 = arith.addi %iota3A, %add3A_313 : vector<16xi32>
        tpu.vector_store_idx %arg8[%get3A_307], %add3A_314 : memref<100000xi32, #tpu.memory_space<vmem>>[vector<16xi32>], vector<16xi32>,
        %mul3A_315 = arith.constant 16 : i32
        %mul3A_316 = arith.muli %scan3A_194, %mul3A_315 : i32
        %add3A_317 = arith.constant 8 : i32
        %add3A_318 = arith.addi %mul3A_316, %add3A_317 : i32
        %mul3A_319 = arith.constant 16 : i32
        %mul3A_320 = arith.muli %add3A_318, %mul3A_319 : i32
        %get3A_321 = arith.index_cast %mul3A_320 : i32 to index
        %get3A_322 = tpu.vector_load %arg7[%get3A_321] {strides = array<i32>} : memref<4096xi32, #tpu.memory_space<vmem>>, vector<16xi32>,
        %mul3A_323 = arith.constant 4096 : i32
        %mul3A_324 = arith.muli %add3A_173, %mul3A_323 : i32
        %mul3A_325 = arith.constant 16 : i32
        %mul3A_326 = arith.muli %add3A_318, %mul3A_325 : i32
        %add3A_327 = arith.addi %mul3A_324, %mul3A_326 : i32
        %add3A_328 = vector.broadcast %add3A_327 : i32 to vector<16xi32>
        %add3A_329 = arith.addi %iota3A, %add3A_328 : vector<16xi32>
        tpu.vector_store_idx %arg8[%get3A_322], %add3A_329 : memref<100000xi32, #tpu.memory_space<vmem>>[vector<16xi32>], vector<16xi32>,
        %mul3A_330 = arith.constant 16 : i32
        %mul3A_331 = arith.muli %scan3A_194, %mul3A_330 : i32
        %add3A_332 = arith.constant 9 : i32
        %add3A_333 = arith.addi %mul3A_331, %add3A_332 : i32
        %mul3A_334 = arith.constant 16 : i32
        %mul3A_335 = arith.muli %add3A_333, %mul3A_334 : i32
        %get3A_336 = arith.index_cast %mul3A_335 : i32 to index
        %get3A_337 = tpu.vector_load %arg7[%get3A_336] {strides = array<i32>} : memref<4096xi32, #tpu.memory_space<vmem>>, vector<16xi32>,
        %mul3A_338 = arith.constant 4096 : i32
        %mul3A_339 = arith.muli %add3A_173, %mul3A_338 : i32
        %mul3A_340 = arith.constant 16 : i32
        %mul3A_341 = arith.muli %add3A_333, %mul3A_340 : i32
        %add3A_342 = arith.addi %mul3A_339, %mul3A_341 : i32
        %add3A_343 = vector.broadcast %add3A_342 : i32 to vector<16xi32>
        %add3A_344 = arith.addi %iota3A, %add3A_343 : vector<16xi32>
        tpu.vector_store_idx %arg8[%get3A_337], %add3A_344 : memref<100000xi32, #tpu.memory_space<vmem>>[vector<16xi32>], vector<16xi32>,
        %mul3A_345 = arith.constant 16 : i32
        %mul3A_346 = arith.muli %scan3A_194, %mul3A_345 : i32
        %add3A_347 = arith.constant 10 : i32
        %add3A_348 = arith.addi %mul3A_346, %add3A_347 : i32
        %mul3A_349 = arith.constant 16 : i32
        %mul3A_350 = arith.muli %add3A_348, %mul3A_349 : i32
        %get3A_351 = arith.index_cast %mul3A_350 : i32 to index
        %get3A_352 = tpu.vector_load %arg7[%get3A_351] {strides = array<i32>} : memref<4096xi32, #tpu.memory_space<vmem>>, vector<16xi32>,
        %mul3A_353 = arith.constant 4096 : i32
        %mul3A_354 = arith.muli %add3A_173, %mul3A_353 : i32
        %mul3A_355 = arith.constant 16 : i32
        %mul3A_356 = arith.muli %add3A_348, %mul3A_355 : i32
        %add3A_357 = arith.addi %mul3A_354, %mul3A_356 : i32
        %add3A_358 = vector.broadcast %add3A_357 : i32 to vector<16xi32>
        %add3A_359 = arith.addi %iota3A, %add3A_358 : vector<16xi32>
        tpu.vector_store_idx %arg8[%get3A_352], %add3A_359 : memref<100000xi32, #tpu.memory_space<vmem>>[vector<16xi32>], vector<16xi32>,
        %mul3A_360 = arith.constant 16 : i32
        %mul3A_361 = arith.muli %scan3A_194, %mul3A_360 : i32
        %add3A_362 = arith.constant 11 : i32
        %add3A_363 = arith.addi %mul3A_361, %add3A_362 : i32
        %mul3A_364 = arith.constant 16 : i32
        %mul3A_365 = arith.muli %add3A_363, %mul3A_364 : i32
        %get3A_366 = arith.index_cast %mul3A_365 : i32 to index
        %get3A_367 = tpu.vector_load %arg7[%get3A_366] {strides = array<i32>} : memref<4096xi32, #tpu.memory_space<vmem>>, vector<16xi32>,
        %mul3A_368 = arith.constant 4096 : i32
        %mul3A_369 = arith.muli %add3A_173, %mul3A_368 : i32
        %mul3A_370 = arith.constant 16 : i32
        %mul3A_371 = arith.muli %add3A_363, %mul3A_370 : i32
        %add3A_372 = arith.addi %mul3A_369, %mul3A_371 : i32
        %add3A_373 = vector.broadcast %add3A_372 : i32 to vector<16xi32>
        %add3A_374 = arith.addi %iota3A, %add3A_373 : vector<16xi32>
        tpu.vector_store_idx %arg8[%get3A_367], %add3A_374 : memref<100000xi32, #tpu.memory_space<vmem>>[vector<16xi32>], vector<16xi32>,
        %mul3A_375 = arith.constant 16 : i32
        %mul3A_376 = arith.muli %scan3A_194, %mul3A_375 : i32
        %add3A_377 = arith.constant 12 : i32
        %add3A_378 = arith.addi %mul3A_376, %add3A_377 : i32
        %mul3A_379 = arith.constant 16 : i32
        %mul3A_380 = arith.muli %add3A_378, %mul3A_379 : i32
        %get3A_381 = arith.index_cast %mul3A_380 : i32 to index
        %get3A_382 = tpu.vector_load %arg7[%get3A_381] {strides = array<i32>} : memref<4096xi32, #tpu.memory_space<vmem>>, vector<16xi32>,
        %mul3A_383 = arith.constant 4096 : i32
        %mul3A_384 = arith.muli %add3A_173, %mul3A_383 : i32
        %mul3A_385 = arith.constant 16 : i32
        %mul3A_386 = arith.muli %add3A_378, %mul3A_385 : i32
        %add3A_387 = arith.addi %mul3A_384, %mul3A_386 : i32
        %add3A_388 = vector.broadcast %add3A_387 : i32 to vector<16xi32>
        %add3A_389 = arith.addi %iota3A, %add3A_388 : vector<16xi32>
        tpu.vector_store_idx %arg8[%get3A_382], %add3A_389 : memref<100000xi32, #tpu.memory_space<vmem>>[vector<16xi32>], vector<16xi32>,
        %mul3A_390 = arith.constant 16 : i32
        %mul3A_391 = arith.muli %scan3A_194, %mul3A_390 : i32
        %add3A_392 = arith.constant 13 : i32
        %add3A_393 = arith.addi %mul3A_391, %add3A_392 : i32
        %mul3A_394 = arith.constant 16 : i32
        %mul3A_395 = arith.muli %add3A_393, %mul3A_394 : i32
        %get3A_396 = arith.index_cast %mul3A_395 : i32 to index
        %get3A_397 = tpu.vector_load %arg7[%get3A_396] {strides = array<i32>} : memref<4096xi32, #tpu.memory_space<vmem>>, vector<16xi32>,
        %mul3A_398 = arith.constant 4096 : i32
        %mul3A_399 = arith.muli %add3A_173, %mul3A_398 : i32
        %mul3A_400 = arith.constant 16 : i32
        %mul3A_401 = arith.muli %add3A_393, %mul3A_400 : i32
        %add3A_402 = arith.addi %mul3A_399, %mul3A_401 : i32
        %add3A_403 = vector.broadcast %add3A_402 : i32 to vector<16xi32>
        %add3A_404 = arith.addi %iota3A, %add3A_403 : vector<16xi32>
        tpu.vector_store_idx %arg8[%get3A_397], %add3A_404 : memref<100000xi32, #tpu.memory_space<vmem>>[vector<16xi32>], vector<16xi32>,
        %mul3A_405 = arith.constant 16 : i32
        %mul3A_406 = arith.muli %scan3A_194, %mul3A_405 : i32
        %add3A_407 = arith.constant 14 : i32
        %add3A_408 = arith.addi %mul3A_406, %add3A_407 : i32
        %mul3A_409 = arith.constant 16 : i32
        %mul3A_410 = arith.muli %add3A_408, %mul3A_409 : i32
        %get3A_411 = arith.index_cast %mul3A_410 : i32 to index
        %get3A_412 = tpu.vector_load %arg7[%get3A_411] {strides = array<i32>} : memref<4096xi32, #tpu.memory_space<vmem>>, vector<16xi32>,
        %mul3A_413 = arith.constant 4096 : i32
        %mul3A_414 = arith.muli %add3A_173, %mul3A_413 : i32
        %mul3A_415 = arith.constant 16 : i32
        %mul3A_416 = arith.muli %add3A_408, %mul3A_415 : i32
        %add3A_417 = arith.addi %mul3A_414, %mul3A_416 : i32
        %add3A_418 = vector.broadcast %add3A_417 : i32 to vector<16xi32>
        %add3A_419 = arith.addi %iota3A, %add3A_418 : vector<16xi32>
        tpu.vector_store_idx %arg8[%get3A_412], %add3A_419 : memref<100000xi32, #tpu.memory_space<vmem>>[vector<16xi32>], vector<16xi32>,
        %mul3A_420 = arith.constant 16 : i32
        %mul3A_421 = arith.muli %scan3A_194, %mul3A_420 : i32
        %add3A_422 = arith.constant 15 : i32
        %add3A_423 = arith.addi %mul3A_421, %add3A_422 : i32
        %mul3A_424 = arith.constant 16 : i32
        %mul3A_425 = arith.muli %add3A_423, %mul3A_424 : i32
        %get3A_426 = arith.index_cast %mul3A_425 : i32 to index
        %get3A_427 = tpu.vector_load %arg7[%get3A_426] {strides = array<i32>} : memref<4096xi32, #tpu.memory_space<vmem>>, vector<16xi32>,
        %mul3A_428 = arith.constant 4096 : i32
        %mul3A_429 = arith.muli %add3A_173, %mul3A_428 : i32
        %mul3A_430 = arith.constant 16 : i32
        %mul3A_431 = arith.muli %add3A_423, %mul3A_430 : i32
        %add3A_432 = arith.addi %mul3A_429, %mul3A_431 : i32
        %add3A_433 = vector.broadcast %add3A_432 : i32 to vector<16xi32>
        %add3A_434 = arith.addi %iota3A, %add3A_433 : vector<16xi32>
        tpu.vector_store_idx %arg8[%get3A_427], %add3A_434 : memref<100000xi32, #tpu.memory_space<vmem>>[vector<16xi32>], vector<16xi32>,
      }
      %scan3A_186 = arith.constant 16 : i32
      %add3A_187 = arith.constant 2 : i32
      %add3A_188 = arith.addi %add3A_173, %add3A_187 : i32
      %lt3A_189 = arith.constant 4 : i32
      %lt3A_190 = arith.cmpi slt, %add3A_188, %lt3A_189 : i32
      %convert_element_type3A_191 = arith.extui %lt3A_190 : i1 to i32
      %cond3A_192 = arith.constant 0 : i32
      %cond3A_193 = arith.cmpi ne, %convert_element_type3A_191, %cond3A_192 : i32
      scf.if %cond3A_193 {
        %add3A_194 = arith.constant 2 : i32
        %add3A_195 = arith.addi %add3A_173, %add3A_194 : i32
        %mul3A_196 = arith.constant 4096 : i32
        %mul3A_197 = arith.muli %add3A_195, %mul3A_196 : i32
        %dma_start3A_198 = arith.constant 1 : i32
        %dma_start3A_199 = tpu.memref_slice %arg2[%mul3A_197] : memref<16384xi32, #tpu.memory_space<hbm>> -> memref<4096xi32, #tpu.memory_space<hbm>>
        %dma_start3A_200 = tpu.memref_slice %arg11[%dma_start3A_198] : memref<2x!tpu.dma_semaphore, #tpu.memory_space<semaphore_mem>> -> memref<1x!tpu.dma_semaphore, #tpu.memory_space<semaphore_mem>>
        %dma_start3A_201 = tpu.memref_squeeze %dma_start3A_200 : memref<1x!tpu.dma_semaphore, #tpu.memory_space<semaphore_mem>> -> memref<!tpu.dma_semaphore, #tpu.memory_space<semaphore_mem>>
        %dma_start3A_202 = tpu.memref_slice %arg2[%mul3A_197] : memref<16384xi32, #tpu.memory_space<hbm>> -> memref<4096xi32, #tpu.memory_space<hbm>>
        tpu.enqueue_dma source(%dma_start3A_202 : memref<4096xi32, #tpu.memory_space<hbm>>) target(%arg7 : memref<4096xi32, #tpu.memory_space<vmem>>) target_semaphore(%dma_start3A_201 : memref<!tpu.dma_semaphore, #tpu.memory_space<semaphore_mem>>)
      } else {
      }
    }
    %scan3A_22 = arith.constant 2 : i32
    %dma_wait3A = tpu.memref_slice %arg2[%mul3A_2] : memref<16384xi32, #tpu.memory_space<hbm>> -> memref<512xi32, #tpu.memory_space<hbm>>
    %dma_wait3A_23 = tpu.memref_slice %arg2[%mul3A_2] : memref<16384xi32, #tpu.memory_space<hbm>> -> memref<512xi32, #tpu.memory_space<hbm>>
    tpu.wait_dma2 semaphore(%arg10 : memref<!tpu.dma_semaphore, #tpu.memory_space<semaphore_mem>>) src(%dma_wait3A_23 : memref<512xi32, #tpu.memory_space<hbm>>) dst(%arg5 : memref<512xi32, #tpu.memory_space<vmem>>)
    %get3A = arith.constant 0 : index
    %get3A_24 = tpu.vector_load %arg5[%get3A] {strides = array<i32>} : memref<512xi32, #tpu.memory_space<vmem>>, vector<16xi32>,
    %gather3A = tpu.vector_load_idx %arg8[%get3A_24] : memref<100000xi32, #tpu.memory_space<vmem>>[vector<16xi32>], vector<16xi32>,
    %dma_start3A_25 = arith.constant 0 : i32
    %dma_start3A_26 = arith.constant 0 : i32
    %dma_start3A_27 = arith.constant 0 : i32
    %dma_start3A_28 = arith.constant 0 : i32
    %dma_start3A_29 = tpu.memref_slice %arg9[%dma_start3A_25, %dma_start3A_27, %dma_start3A_28] : memref<4x16x256xf32, #tpu.memory_space<vmem>> -> memref<1x16x256xf32, #tpu.memory_space<vmem>>
    %dma_start3A_30 = tpu.memref_squeeze %dma_start3A_29 : memref<1x16x256xf32, #tpu.memory_space<vmem>> -> memref<16x256xf32, #tpu.memory_space<vmem>>
    %dma_start3A_31 = arith.constant 0 : i32
    %dma_start3A_32 = arith.constant 0 : i32
    %dma_start3A_33 = tpu.memref_slice %arg3[%dma_start3A_31, %dma_start3A_32] : memref<16384x256xf32, #tpu.memory_space<hbm>> -> memref<16384x256xf32, #tpu.memory_space<hbm>>
    %dma_start3A_34 = tpu.memref_slice %arg12[%dma_start3A_26] : memref<4x!tpu.dma_semaphore, #tpu.memory_space<semaphore_mem>> -> memref<1x!tpu.dma_semaphore, #tpu.memory_space<semaphore_mem>>
    %dma_start3A_35 = tpu.memref_squeeze %dma_start3A_34 : memref<1x!tpu.dma_semaphore, #tpu.memory_space<semaphore_mem>> -> memref<!tpu.dma_semaphore, #tpu.memory_space<semaphore_mem>>
    tpu.enqueue_indirect_dma source(%dma_start3A_33 : memref<16384x256xf32, #tpu.memory_space<hbm>>) target(%dma_start3A_30 : memref<16x256xf32, #tpu.memory_space<vmem>>) offsets(%gather3A : vector<16xi32>) semaphore(%dma_start3A_35 : memref<!tpu.dma_semaphore, #tpu.memory_space<semaphore_mem>>)
    %get3A_36 = arith.constant 16 : index
    %get3A_37 = tpu.vector_load %arg5[%get3A_36] {strides = array<i32>} : memref<512xi32, #tpu.memory_space<vmem>>, vector<16xi32>,
    %gather3A_38 = tpu.vector_load_idx %arg8[%get3A_37] : memref<100000xi32, #tpu.memory_space<vmem>>[vector<16xi32>], vector<16xi32>,
    %dma_start3A_39 = arith.constant 1 : i32
    %dma_start3A_40 = arith.constant 1 : i32
    %dma_start3A_41 = arith.constant 0 : i32
    %dma_start3A_42 = arith.constant 0 : i32
    %dma_start3A_43 = tpu.memref_slice %arg9[%dma_start3A_39, %dma_start3A_41, %dma_start3A_42] : memref<4x16x256xf32, #tpu.memory_space<vmem>> -> memref<1x16x256xf32, #tpu.memory_space<vmem>>
    %dma_start3A_44 = tpu.memref_squeeze %dma_start3A_43 : memref<1x16x256xf32, #tpu.memory_space<vmem>> -> memref<16x256xf32, #tpu.memory_space<vmem>>
    %dma_start3A_45 = arith.constant 0 : i32
    %dma_start3A_46 = arith.constant 0 : i32
    %dma_start3A_47 = tpu.memref_slice %arg3[%dma_start3A_45, %dma_start3A_46] : memref<16384x256xf32, #tpu.memory_space<hbm>> -> memref<16384x256xf32, #tpu.memory_space<hbm>>
    %dma_start3A_48 = tpu.memref_slice %arg12[%dma_start3A_40] : memref<4x!tpu.dma_semaphore, #tpu.memory_space<semaphore_mem>> -> memref<1x!tpu.dma_semaphore, #tpu.memory_space<semaphore_mem>>
    %dma_start3A_49 = tpu.memref_squeeze %dma_start3A_48 : memref<1x!tpu.dma_semaphore, #tpu.memory_space<semaphore_mem>> -> memref<!tpu.dma_semaphore, #tpu.memory_space<semaphore_mem>>
    tpu.enqueue_indirect_dma source(%dma_start3A_47 : memref<16384x256xf32, #tpu.memory_space<hbm>>) target(%dma_start3A_44 : memref<16x256xf32, #tpu.memory_space<vmem>>) offsets(%gather3A_38 : vector<16xi32>) semaphore(%dma_start3A_49 : memref<!tpu.dma_semaphore, #tpu.memory_space<semaphore_mem>>)
    %get3A_50 = arith.constant 32 : index
    %get3A_51 = tpu.vector_load %arg5[%get3A_50] {strides = array<i32>} : memref<512xi32, #tpu.memory_space<vmem>>, vector<16xi32>,
    %gather3A_52 = tpu.vector_load_idx %arg8[%get3A_51] : memref<100000xi32, #tpu.memory_space<vmem>>[vector<16xi32>], vector<16xi32>,
    %dma_start3A_53 = arith.constant 2 : i32
    %dma_start3A_54 = arith.constant 2 : i32
    %dma_start3A_55 = arith.constant 0 : i32
    %dma_start3A_56 = arith.constant 0 : i32
    %dma_start3A_57 = tpu.memref_slice %arg9[%dma_start3A_53, %dma_start3A_55, %dma_start3A_56] : memref<4x16x256xf32, #tpu.memory_space<vmem>> -> memref<1x16x256xf32, #tpu.memory_space<vmem>>
    %dma_start3A_58 = tpu.memref_squeeze %dma_start3A_57 : memref<1x16x256xf32, #tpu.memory_space<vmem>> -> memref<16x256xf32, #tpu.memory_space<vmem>>
    %dma_start3A_59 = arith.constant 0 : i32
    %dma_start3A_60 = arith.constant 0 : i32
    %dma_start3A_61 = tpu.memref_slice %arg3[%dma_start3A_59, %dma_start3A_60] : memref<16384x256xf32, #tpu.memory_space<hbm>> -> memref<16384x256xf32, #tpu.memory_space<hbm>>
    %dma_start3A_62 = tpu.memref_slice %arg12[%dma_start3A_54] : memref<4x!tpu.dma_semaphore, #tpu.memory_space<semaphore_mem>> -> memref<1x!tpu.dma_semaphore, #tpu.memory_space<semaphore_mem>>
    %dma_start3A_63 = tpu.memref_squeeze %dma_start3A_62 : memref<1x!tpu.dma_semaphore, #tpu.memory_space<semaphore_mem>> -> memref<!tpu.dma_semaphore, #tpu.memory_space<semaphore_mem>>
    tpu.enqueue_indirect_dma source(%dma_start3A_61 : memref<16384x256xf32, #tpu.memory_space<hbm>>) target(%dma_start3A_58 : memref<16x256xf32, #tpu.memory_space<vmem>>) offsets(%gather3A_52 : vector<16xi32>) semaphore(%dma_start3A_63 : memref<!tpu.dma_semaphore, #tpu.memory_space<semaphore_mem>>)
    %get3A_64 = arith.constant 48 : index
    %get3A_65 = tpu.vector_load %arg5[%get3A_64] {strides = array<i32>} : memref<512xi32, #tpu.memory_space<vmem>>, vector<16xi32>,
    %gather3A_66 = tpu.vector_load_idx %arg8[%get3A_65] : memref<100000xi32, #tpu.memory_space<vmem>>[vector<16xi32>], vector<16xi32>,
    %dma_start3A_67 = arith.constant 3 : i32
    %dma_start3A_68 = arith.constant 3 : i32
    %dma_start3A_69 = arith.constant 0 : i32
    %dma_start3A_70 = arith.constant 0 : i32
    %dma_start3A_71 = tpu.memref_slice %arg9[%dma_start3A_67, %dma_start3A_69, %dma_start3A_70] : memref<4x16x256xf32, #tpu.memory_space<vmem>> -> memref<1x16x256xf32, #tpu.memory_space<vmem>>
    %dma_start3A_72 = tpu.memref_squeeze %dma_start3A_71 : memref<1x16x256xf32, #tpu.memory_space<vmem>> -> memref<16x256xf32, #tpu.memory_space<vmem>>
    %dma_start3A_73 = arith.constant 0 : i32
    %dma_start3A_74 = arith.constant 0 : i32
    %dma_start3A_75 = tpu.memref_slice %arg3[%dma_start3A_73, %dma_start3A_74] : memref<16384x256xf32, #tpu.memory_space<hbm>> -> memref<16384x256xf32, #tpu.memory_space<hbm>>
    %dma_start3A_76 = tpu.memref_slice %arg12[%dma_start3A_68] : memref<4x!tpu.dma_semaphore, #tpu.memory_space<semaphore_mem>> -> memref<1x!tpu.dma_semaphore, #tpu.memory_space<semaphore_mem>>
    %dma_start3A_77 = tpu.memref_squeeze %dma_start3A_76 : memref<1x!tpu.dma_semaphore, #tpu.memory_space<semaphore_mem>> -> memref<!tpu.dma_semaphore, #tpu.memory_space<semaphore_mem>>
    tpu.enqueue_indirect_dma source(%dma_start3A_75 : memref<16384x256xf32, #tpu.memory_space<hbm>>) target(%dma_start3A_72 : memref<16x256xf32, #tpu.memory_space<vmem>>) offsets(%gather3A_66 : vector<16xi32>) semaphore(%dma_start3A_77 : memref<!tpu.dma_semaphore, #tpu.memory_space<semaphore_mem>>)
    %scan3A_78 = arith.constant 0 : i32
    %scan3A_79 = arith.constant 0 : i32
    %scan3A_80 = arith.constant 8 : i32
    %scan3A_81 = arith.addi %scan3A_79, %scan3A_80 : i32
    %scan3A_82 = arith.constant 1 : i32
    scf.for %scan3A_148 = %scan3A_79 to %scan3A_81 step %scan3A_82  : i32 {
      %mul3A_149 = arith.constant 4 : i32
      %mul3A_150 = arith.muli %scan3A_148, %mul3A_149 : i32
      %add3A_151 = arith.constant 0 : i32
      %add3A_152 = arith.addi %mul3A_150, %add3A_151 : i32
      %dma_wait3A_153 = arith.constant 0 : i32
      %dma_wait3A_154 = arith.constant 0 : i32
      %dma_wait3A_155 = arith.constant 0 : i32
      %dma_wait3A_156 = arith.constant 0 : i32
      %dma_wait3A_157 = tpu.memref_slice %arg9[%dma_wait3A_153, %dma_wait3A_155, %dma_wait3A_156] : memref<4x16x256xf32, #tpu.memory_space<vmem>> -> memref<1x16x256xf32, #tpu.memory_space<vmem>>
      %dma_wait3A_158 = tpu.memref_squeeze %dma_wait3A_157 : memref<1x16x256xf32, #tpu.memory_space<vmem>> -> memref<16x256xf32, #tpu.memory_space<vmem>>
      %dma_wait3A_159 = arith.constant 0 : i32
      %dma_wait3A_160 = arith.constant 0 : i32
      %dma_wait3A_161 = tpu.memref_slice %arg3[%dma_wait3A_159, %dma_wait3A_160] : memref<16384x256xf32, #tpu.memory_space<hbm>> -> memref<16x256xf32, #tpu.memory_space<hbm>>
      %dma_wait3A_162 = tpu.memref_slice %arg12[%dma_wait3A_154] : memref<4x!tpu.dma_semaphore, #tpu.memory_space<semaphore_mem>> -> memref<1x!tpu.dma_semaphore, #tpu.memory_space<semaphore_mem>>
      %dma_wait3A_163 = tpu.memref_squeeze %dma_wait3A_162 : memref<1x!tpu.dma_semaphore, #tpu.memory_space<semaphore_mem>> -> memref<!tpu.dma_semaphore, #tpu.memory_space<semaphore_mem>>
      %dma_wait3A_164 = arith.constant 0 : i32
      %dma_wait3A_165 = arith.constant 0 : i32
      %dma_wait3A_166 = tpu.memref_slice %arg9[%dma_wait3A_153, %dma_wait3A_164, %dma_wait3A_165] : memref<4x16x256xf32, #tpu.memory_space<vmem>> -> memref<1x16x256xf32, #tpu.memory_space<vmem>>
      %dma_wait3A_167 = tpu.memref_squeeze %dma_wait3A_166 : memref<1x16x256xf32, #tpu.memory_space<vmem>> -> memref<16x256xf32, #tpu.memory_space<vmem>>
      %dma_wait3A_168 = arith.constant 0 : i32
      %dma_wait3A_169 = arith.constant 0 : i32
      %dma_wait3A_170 = tpu.memref_slice %arg3[%dma_wait3A_168, %dma_wait3A_169] : memref<16384x256xf32, #tpu.memory_space<hbm>> -> memref<16x256xf32, #tpu.memory_space<hbm>>
      tpu.wait_dma2 semaphore(%dma_wait3A_163 : memref<!tpu.dma_semaphore, #tpu.memory_space<semaphore_mem>>) src(%dma_wait3A_170 : memref<16x256xf32, #tpu.memory_space<hbm>>) dst(%dma_wait3A_167 : memref<16x256xf32, #tpu.memory_space<vmem>>)
      %mul3A_171 = arith.constant 16 : i32
      %mul3A_172 = arith.muli %add3A_152, %mul3A_171 : i32
      %add3A_173 = arith.addi %mul3A_2, %mul3A_172 : i32
      %dma_start3A_174 = arith.constant 0 : i32
      %dma_start3A_175 = arith.constant 0 : i32
      %dma_start3A_176 = arith.constant 0 : i32
      %dma_start3A_177 = arith.constant 0 : i32
      %dma_start3A_178 = tpu.memref_slice %arg9[%dma_start3A_174, %dma_start3A_176, %dma_start3A_177] : memref<4x16x256xf32, #tpu.memory_space<vmem>> -> memref<1x16x256xf32, #tpu.memory_space<vmem>>
      %dma_start3A_179 = tpu.memref_squeeze %dma_start3A_178 : memref<1x16x256xf32, #tpu.memory_space<vmem>> -> memref<16x256xf32, #tpu.memory_space<vmem>>
      %dma_start3A_180 = arith.constant 0 : i32
      %dma_start3A_181 = tpu.memref_slice %arg4[%add3A_173, %dma_start3A_180] : memref<16384x256xf32, #tpu.memory_space<hbm>> -> memref<16x256xf32, #tpu.memory_space<hbm>>
      %dma_start3A_182 = tpu.memref_slice %arg13[%dma_start3A_175] : memref<4x!tpu.dma_semaphore, #tpu.memory_space<semaphore_mem>> -> memref<1x!tpu.dma_semaphore, #tpu.memory_space<semaphore_mem>>
      %dma_start3A_183 = tpu.memref_squeeze %dma_start3A_182 : memref<1x!tpu.dma_semaphore, #tpu.memory_space<semaphore_mem>> -> memref<!tpu.dma_semaphore, #tpu.memory_space<semaphore_mem>>
      %dma_start3A_184 = arith.constant 0 : i32
      %dma_start3A_185 = tpu.memref_slice %arg4[%add3A_173, %dma_start3A_184] : memref<16384x256xf32, #tpu.memory_space<hbm>> -> memref<16x256xf32, #tpu.memory_space<hbm>>
      %dma_start3A_186 = arith.constant 0 : i32
      %dma_start3A_187 = arith.constant 0 : i32
      %dma_start3A_188 = tpu.memref_slice %arg9[%dma_start3A_174, %dma_start3A_186, %dma_start3A_187] : memref<4x16x256xf32, #tpu.memory_space<vmem>> -> memref<1x16x256xf32, #tpu.memory_space<vmem>>
      %dma_start3A_189 = tpu.memref_squeeze %dma_start3A_188 : memref<1x16x256xf32, #tpu.memory_space<vmem>> -> memref<16x256xf32, #tpu.memory_space<vmem>>
      tpu.enqueue_dma source(%dma_start3A_189 : memref<16x256xf32, #tpu.memory_space<vmem>>) target(%dma_start3A_185 : memref<16x256xf32, #tpu.memory_space<hbm>>) target_semaphore(%dma_start3A_183 : memref<!tpu.dma_semaphore, #tpu.memory_space<semaphore_mem>>)
      %add3A_190 = arith.constant 4 : i32
      %add3A_191 = arith.addi %add3A_152, %add3A_190 : i32
      %lt3A = arith.constant 32 : i32
      %lt3A_192 = arith.cmpi slt, %add3A_191, %lt3A : i32
      %convert_element_type3A = arith.extui %lt3A_192 : i1 to i32
      %cond3A = arith.constant 0 : i32
      %cond3A_193 = arith.cmpi ne, %convert_element_type3A, %cond3A : i32
      scf.if %cond3A_193 {
        %dma_wait3A_338 = arith.constant 0 : i32
        %dma_wait3A_339 = arith.constant 0 : i32
        %dma_wait3A_340 = arith.constant 0 : i32
        %dma_wait3A_341 = arith.constant 0 : i32
        %dma_wait3A_342 = tpu.memref_slice %arg9[%dma_wait3A_338, %dma_wait3A_340, %dma_wait3A_341] : memref<4x16x256xf32, #tpu.memory_space<vmem>> -> memref<1x16x256xf32, #tpu.memory_space<vmem>>
        %dma_wait3A_343 = tpu.memref_squeeze %dma_wait3A_342 : memref<1x16x256xf32, #tpu.memory_space<vmem>> -> memref<16x256xf32, #tpu.memory_space<vmem>>
        %dma_wait3A_344 = arith.constant 0 : i32
        %dma_wait3A_345 = tpu.memref_slice %arg4[%mul3A_2, %dma_wait3A_344] : memref<16384x256xf32, #tpu.memory_space<hbm>> -> memref<16x256xf32, #tpu.memory_space<hbm>>
        %dma_wait3A_346 = tpu.memref_slice %arg13[%dma_wait3A_339] : memref<4x!tpu.dma_semaphore, #tpu.memory_space<semaphore_mem>> -> memref<1x!tpu.dma_semaphore, #tpu.memory_space<semaphore_mem>>
        %dma_wait3A_347 = tpu.memref_squeeze %dma_wait3A_346 : memref<1x!tpu.dma_semaphore, #tpu.memory_space<semaphore_mem>> -> memref<!tpu.dma_semaphore, #tpu.memory_space<semaphore_mem>>
        %dma_wait3A_348 = arith.constant 0 : i32
        %dma_wait3A_349 = tpu.memref_slice %arg4[%mul3A_2, %dma_wait3A_348] : memref<16384x256xf32, #tpu.memory_space<hbm>> -> memref<16x256xf32, #tpu.memory_space<hbm>>
        %dma_wait3A_350 = arith.constant 0 : i32
        %dma_wait3A_351 = arith.constant 0 : i32
        %dma_wait3A_352 = tpu.memref_slice %arg9[%dma_wait3A_338, %dma_wait3A_350, %dma_wait3A_351] : memref<4x16x256xf32, #tpu.memory_space<vmem>> -> memref<1x16x256xf32, #tpu.memory_space<vmem>>
        %dma_wait3A_353 = tpu.memref_squeeze %dma_wait3A_352 : memref<1x16x256xf32, #tpu.memory_space<vmem>> -> memref<16x256xf32, #tpu.memory_space<vmem>>
        tpu.wait_dma2 semaphore(%dma_wait3A_347 : memref<!tpu.dma_semaphore, #tpu.memory_space<semaphore_mem>>) src(%dma_wait3A_353 : memref<16x256xf32, #tpu.memory_space<vmem>>) dst(%dma_wait3A_349 : memref<16x256xf32, #tpu.memory_space<hbm>>)
        %add3A_354 = arith.constant 4 : i32
        %add3A_355 = arith.addi %add3A_152, %add3A_354 : i32
        %mul3A_356 = arith.constant 16 : i32
        %mul3A_357 = arith.muli %add3A_355, %mul3A_356 : i32
        %get3A_358 = arith.index_cast %mul3A_357 : i32 to index
        %get3A_359 = tpu.vector_load %arg5[%get3A_358] {strides = array<i32>} : memref<512xi32, #tpu.memory_space<vmem>>, vector<16xi32>,
        %gather3A_360 = tpu.vector_load_idx %arg8[%get3A_359] : memref<100000xi32, #tpu.memory_space<vmem>>[vector<16xi32>], vector<16xi32>,
        %dma_start3A_361 = arith.constant 0 : i32
        %dma_start3A_362 = arith.constant 0 : i32
        %dma_start3A_363 = arith.constant 0 : i32
        %dma_start3A_364 = arith.constant 0 : i32
        %dma_start3A_365 = tpu.memref_slice %arg9[%dma_start3A_361, %dma_start3A_363, %dma_start3A_364] : memref<4x16x256xf32, #tpu.memory_space<vmem>> -> memref<1x16x256xf32, #tpu.memory_space<vmem>>
        %dma_start3A_366 = tpu.memref_squeeze %dma_start3A_365 : memref<1x16x256xf32, #tpu.memory_space<vmem>> -> memref<16x256xf32, #tpu.memory_space<vmem>>
        %dma_start3A_367 = arith.constant 0 : i32
        %dma_start3A_368 = arith.constant 0 : i32
        %dma_start3A_369 = tpu.memref_slice %arg3[%dma_start3A_367, %dma_start3A_368] : memref<16384x256xf32, #tpu.memory_space<hbm>> -> memref<16384x256xf32, #tpu.memory_space<hbm>>
        %dma_start3A_370 = tpu.memref_slice %arg12[%dma_start3A_362] : memref<4x!tpu.dma_semaphore, #tpu.memory_space<semaphore_mem>> -> memref<1x!tpu.dma_semaphore, #tpu.memory_space<semaphore_mem>>
        %dma_start3A_371 = tpu.memref_squeeze %dma_start3A_370 : memref<1x!tpu.dma_semaphore, #tpu.memory_space<semaphore_mem>> -> memref<!tpu.dma_semaphore, #tpu.memory_space<semaphore_mem>>
        tpu.enqueue_indirect_dma source(%dma_start3A_369 : memref<16384x256xf32, #tpu.memory_space<hbm>>) target(%dma_start3A_366 : memref<16x256xf32, #tpu.memory_space<vmem>>) offsets(%gather3A_360 : vector<16xi32>) semaphore(%dma_start3A_371 : memref<!tpu.dma_semaphore, #tpu.memory_space<semaphore_mem>>)
      } else {
      }
      %mul3A_194 = arith.constant 4 : i32
      %mul3A_195 = arith.muli %scan3A_148, %mul3A_194 : i32
      %add3A_196 = arith.constant 1 : i32
      %add3A_197 = arith.addi %mul3A_195, %add3A_196 : i32
      %dma_wait3A_198 = arith.constant 1 : i32
      %dma_wait3A_199 = arith.constant 1 : i32
      %dma_wait3A_200 = arith.constant 0 : i32
      %dma_wait3A_201 = arith.constant 0 : i32
      %dma_wait3A_202 = tpu.memref_slice %arg9[%dma_wait3A_198, %dma_wait3A_200, %dma_wait3A_201] : memref<4x16x256xf32, #tpu.memory_space<vmem>> -> memref<1x16x256xf32, #tpu.memory_space<vmem>>
      %dma_wait3A_203 = tpu.memref_squeeze %dma_wait3A_202 : memref<1x16x256xf32, #tpu.memory_space<vmem>> -> memref<16x256xf32, #tpu.memory_space<vmem>>
      %dma_wait3A_204 = arith.constant 0 : i32
      %dma_wait3A_205 = arith.constant 0 : i32
      %dma_wait3A_206 = tpu.memref_slice %arg3[%dma_wait3A_204, %dma_wait3A_205] : memref<16384x256xf32, #tpu.memory_space<hbm>> -> memref<16x256xf32, #tpu.memory_space<hbm>>
      %dma_wait3A_207 = tpu.memref_slice %arg12[%dma_wait3A_199] : memref<4x!tpu.dma_semaphore, #tpu.memory_space<semaphore_mem>> -> memref<1x!tpu.dma_semaphore, #tpu.memory_space<semaphore_mem>>
      %dma_wait3A_208 = tpu.memref_squeeze %dma_wait3A_207 : memref<1x!tpu.dma_semaphore, #tpu.memory_space<semaphore_mem>> -> memref<!tpu.dma_semaphore, #tpu.memory_space<semaphore_mem>>
      %dma_wait3A_209 = arith.constant 0 : i32
      %dma_wait3A_210 = arith.constant 0 : i32
      %dma_wait3A_211 = tpu.memref_slice %arg9[%dma_wait3A_198, %dma_wait3A_209, %dma_wait3A_210] : memref<4x16x256xf32, #tpu.memory_space<vmem>> -> memref<1x16x256xf32, #tpu.memory_space<vmem>>
      %dma_wait3A_212 = tpu.memref_squeeze %dma_wait3A_211 : memref<1x16x256xf32, #tpu.memory_space<vmem>> -> memref<16x256xf32, #tpu.memory_space<vmem>>
      %dma_wait3A_213 = arith.constant 0 : i32
      %dma_wait3A_214 = arith.constant 0 : i32
      %dma_wait3A_215 = tpu.memref_slice %arg3[%dma_wait3A_213, %dma_wait3A_214] : memref<16384x256xf32, #tpu.memory_space<hbm>> -> memref<16x256xf32, #tpu.memory_space<hbm>>
      tpu.wait_dma2 semaphore(%dma_wait3A_208 : memref<!tpu.dma_semaphore, #tpu.memory_space<semaphore_mem>>) src(%dma_wait3A_215 : memref<16x256xf32, #tpu.memory_space<hbm>>) dst(%dma_wait3A_212 : memref<16x256xf32, #tpu.memory_space<vmem>>)
      %mul3A_216 = arith.constant 16 : i32
      %mul3A_217 = arith.muli %add3A_197, %mul3A_216 : i32
      %add3A_218 = arith.addi %mul3A_2, %mul3A_217 : i32
      %dma_start3A_219 = arith.constant 1 : i32
      %dma_start3A_220 = arith.constant 1 : i32
      %dma_start3A_221 = arith.constant 0 : i32
      %dma_start3A_222 = arith.constant 0 : i32
      %dma_start3A_223 = tpu.memref_slice %arg9[%dma_start3A_219, %dma_start3A_221, %dma_start3A_222] : memref<4x16x256xf32, #tpu.memory_space<vmem>> -> memref<1x16x256xf32, #tpu.memory_space<vmem>>
      %dma_start3A_224 = tpu.memref_squeeze %dma_start3A_223 : memref<1x16x256xf32, #tpu.memory_space<vmem>> -> memref<16x256xf32, #tpu.memory_space<vmem>>
      %dma_start3A_225 = arith.constant 0 : i32
      %dma_start3A_226 = tpu.memref_slice %arg4[%add3A_218, %dma_start3A_225] : memref<16384x256xf32, #tpu.memory_space<hbm>> -> memref<16x256xf32, #tpu.memory_space<hbm>>
      %dma_start3A_227 = tpu.memref_slice %arg13[%dma_start3A_220] : memref<4x!tpu.dma_semaphore, #tpu.memory_space<semaphore_mem>> -> memref<1x!tpu.dma_semaphore, #tpu.memory_space<semaphore_mem>>
      %dma_start3A_228 = tpu.memref_squeeze %dma_start3A_227 : memref<1x!tpu.dma_semaphore, #tpu.memory_space<semaphore_mem>> -> memref<!tpu.dma_semaphore, #tpu.memory_space<semaphore_mem>>
      %dma_start3A_229 = arith.constant 0 : i32
      %dma_start3A_230 = tpu.memref_slice %arg4[%add3A_218, %dma_start3A_229] : memref<16384x256xf32, #tpu.memory_space<hbm>> -> memref<16x256xf32, #tpu.memory_space<hbm>>
      %dma_start3A_231 = arith.constant 0 : i32
      %dma_start3A_232 = arith.constant 0 : i32
      %dma_start3A_233 = tpu.memref_slice %arg9[%dma_start3A_219, %dma_start3A_231, %dma_start3A_232] : memref<4x16x256xf32, #tpu.memory_space<vmem>> -> memref<1x16x256xf32, #tpu.memory_space<vmem>>
      %dma_start3A_234 = tpu.memref_squeeze %dma_start3A_233 : memref<1x16x256xf32, #tpu.memory_space<vmem>> -> memref<16x256xf32, #tpu.memory_space<vmem>>
      tpu.enqueue_dma source(%dma_start3A_234 : memref<16x256xf32, #tpu.memory_space<vmem>>) target(%dma_start3A_230 : memref<16x256xf32, #tpu.memory_space<hbm>>) target_semaphore(%dma_start3A_228 : memref<!tpu.dma_semaphore, #tpu.memory_space<semaphore_mem>>)
      %add3A_235 = arith.constant 4 : i32
      %add3A_236 = arith.addi %add3A_197, %add3A_235 : i32
      %lt3A_237 = arith.constant 32 : i32
      %lt3A_238 = arith.cmpi slt, %add3A_236, %lt3A_237 : i32
      %convert_element_type3A_239 = arith.extui %lt3A_238 : i1 to i32
      %cond3A_240 = arith.constant 0 : i32
      %cond3A_241 = arith.cmpi ne, %convert_element_type3A_239, %cond3A_240 : i32
      scf.if %cond3A_241 {
        %dma_wait3A_338 = arith.constant 1 : i32
        %dma_wait3A_339 = arith.constant 1 : i32
        %dma_wait3A_340 = arith.constant 0 : i32
        %dma_wait3A_341 = arith.constant 0 : i32
        %dma_wait3A_342 = tpu.memref_slice %arg9[%dma_wait3A_338, %dma_wait3A_340, %dma_wait3A_341] : memref<4x16x256xf32, #tpu.memory_space<vmem>> -> memref<1x16x256xf32, #tpu.memory_space<vmem>>
        %dma_wait3A_343 = tpu.memref_squeeze %dma_wait3A_342 : memref<1x16x256xf32, #tpu.memory_space<vmem>> -> memref<16x256xf32, #tpu.memory_space<vmem>>
        %dma_wait3A_344 = arith.constant 0 : i32
        %dma_wait3A_345 = tpu.memref_slice %arg4[%mul3A_2, %dma_wait3A_344] : memref<16384x256xf32, #tpu.memory_space<hbm>> -> memref<16x256xf32, #tpu.memory_space<hbm>>
        %dma_wait3A_346 = tpu.memref_slice %arg13[%dma_wait3A_339] : memref<4x!tpu.dma_semaphore, #tpu.memory_space<semaphore_mem>> -> memref<1x!tpu.dma_semaphore, #tpu.memory_space<semaphore_mem>>
        %dma_wait3A_347 = tpu.memref_squeeze %dma_wait3A_346 : memref<1x!tpu.dma_semaphore, #tpu.memory_space<semaphore_mem>> -> memref<!tpu.dma_semaphore, #tpu.memory_space<semaphore_mem>>
        %dma_wait3A_348 = arith.constant 0 : i32
        %dma_wait3A_349 = tpu.memref_slice %arg4[%mul3A_2, %dma_wait3A_348] : memref<16384x256xf32, #tpu.memory_space<hbm>> -> memref<16x256xf32, #tpu.memory_space<hbm>>
        %dma_wait3A_350 = arith.constant 0 : i32
        %dma_wait3A_351 = arith.constant 0 : i32
        %dma_wait3A_352 = tpu.memref_slice %arg9[%dma_wait3A_338, %dma_wait3A_350, %dma_wait3A_351] : memref<4x16x256xf32, #tpu.memory_space<vmem>> -> memref<1x16x256xf32, #tpu.memory_space<vmem>>
        %dma_wait3A_353 = tpu.memref_squeeze %dma_wait3A_352 : memref<1x16x256xf32, #tpu.memory_space<vmem>> -> memref<16x256xf32, #tpu.memory_space<vmem>>
        tpu.wait_dma2 semaphore(%dma_wait3A_347 : memref<!tpu.dma_semaphore, #tpu.memory_space<semaphore_mem>>) src(%dma_wait3A_353 : memref<16x256xf32, #tpu.memory_space<vmem>>) dst(%dma_wait3A_349 : memref<16x256xf32, #tpu.memory_space<hbm>>)
        %add3A_354 = arith.constant 4 : i32
        %add3A_355 = arith.addi %add3A_197, %add3A_354 : i32
        %mul3A_356 = arith.constant 16 : i32
        %mul3A_357 = arith.muli %add3A_355, %mul3A_356 : i32
        %get3A_358 = arith.index_cast %mul3A_357 : i32 to index
        %get3A_359 = tpu.vector_load %arg5[%get3A_358] {strides = array<i32>} : memref<512xi32, #tpu.memory_space<vmem>>, vector<16xi32>,
        %gather3A_360 = tpu.vector_load_idx %arg8[%get3A_359] : memref<100000xi32, #tpu.memory_space<vmem>>[vector<16xi32>], vector<16xi32>,
        %dma_start3A_361 = arith.constant 1 : i32
        %dma_start3A_362 = arith.constant 1 : i32
        %dma_start3A_363 = arith.constant 0 : i32
        %dma_start3A_364 = arith.constant 0 : i32
        %dma_start3A_365 = tpu.memref_slice %arg9[%dma_start3A_361, %dma_start3A_363, %dma_start3A_364] : memref<4x16x256xf32, #tpu.memory_space<vmem>> -> memref<1x16x256xf32, #tpu.memory_space<vmem>>
        %dma_start3A_366 = tpu.memref_squeeze %dma_start3A_365 : memref<1x16x256xf32, #tpu.memory_space<vmem>> -> memref<16x256xf32, #tpu.memory_space<vmem>>
        %dma_start3A_367 = arith.constant 0 : i32
        %dma_start3A_368 = arith.constant 0 : i32
        %dma_start3A_369 = tpu.memref_slice %arg3[%dma_start3A_367, %dma_start3A_368] : memref<16384x256xf32, #tpu.memory_space<hbm>> -> memref<16384x256xf32, #tpu.memory_space<hbm>>
        %dma_start3A_370 = tpu.memref_slice %arg12[%dma_start3A_362] : memref<4x!tpu.dma_semaphore, #tpu.memory_space<semaphore_mem>> -> memref<1x!tpu.dma_semaphore, #tpu.memory_space<semaphore_mem>>
        %dma_start3A_371 = tpu.memref_squeeze %dma_start3A_370 : memref<1x!tpu.dma_semaphore, #tpu.memory_space<semaphore_mem>> -> memref<!tpu.dma_semaphore, #tpu.memory_space<semaphore_mem>>
        tpu.enqueue_indirect_dma source(%dma_start3A_369 : memref<16384x256xf32, #tpu.memory_space<hbm>>) target(%dma_start3A_366 : memref<16x256xf32, #tpu.memory_space<vmem>>) offsets(%gather3A_360 : vector<16xi32>) semaphore(%dma_start3A_371 : memref<!tpu.dma_semaphore, #tpu.memory_space<semaphore_mem>>)
      } else {
      }
      %mul3A_242 = arith.constant 4 : i32
      %mul3A_243 = arith.muli %scan3A_148, %mul3A_242 : i32
      %add3A_244 = arith.constant 2 : i32
      %add3A_245 = arith.addi %mul3A_243, %add3A_244 : i32
      %dma_wait3A_246 = arith.constant 2 : i32
      %dma_wait3A_247 = arith.constant 2 : i32
      %dma_wait3A_248 = arith.constant 0 : i32
      %dma_wait3A_249 = arith.constant 0 : i32
      %dma_wait3A_250 = tpu.memref_slice %arg9[%dma_wait3A_246, %dma_wait3A_248, %dma_wait3A_249] : memref<4x16x256xf32, #tpu.memory_space<vmem>> -> memref<1x16x256xf32, #tpu.memory_space<vmem>>
      %dma_wait3A_251 = tpu.memref_squeeze %dma_wait3A_250 : memref<1x16x256xf32, #tpu.memory_space<vmem>> -> memref<16x256xf32, #tpu.memory_space<vmem>>
      %dma_wait3A_252 = arith.constant 0 : i32
      %dma_wait3A_253 = arith.constant 0 : i32
      %dma_wait3A_254 = tpu.memref_slice %arg3[%dma_wait3A_252, %dma_wait3A_253] : memref<16384x256xf32, #tpu.memory_space<hbm>> -> memref<16x256xf32, #tpu.memory_space<hbm>>
      %dma_wait3A_255 = tpu.memref_slice %arg12[%dma_wait3A_247] : memref<4x!tpu.dma_semaphore, #tpu.memory_space<semaphore_mem>> -> memref<1x!tpu.dma_semaphore, #tpu.memory_space<semaphore_mem>>
      %dma_wait3A_256 = tpu.memref_squeeze %dma_wait3A_255 : memref<1x!tpu.dma_semaphore, #tpu.memory_space<semaphore_mem>> -> memref<!tpu.dma_semaphore, #tpu.memory_space<semaphore_mem>>
      %dma_wait3A_257 = arith.constant 0 : i32
      %dma_wait3A_258 = arith.constant 0 : i32
      %dma_wait3A_259 = tpu.memref_slice %arg9[%dma_wait3A_246, %dma_wait3A_257, %dma_wait3A_258] : memref<4x16x256xf32, #tpu.memory_space<vmem>> -> memref<1x16x256xf32, #tpu.memory_space<vmem>>
      %dma_wait3A_260 = tpu.memref_squeeze %dma_wait3A_259 : memref<1x16x256xf32, #tpu.memory_space<vmem>> -> memref<16x256xf32, #tpu.memory_space<vmem>>
      %dma_wait3A_261 = arith.constant 0 : i32
      %dma_wait3A_262 = arith.constant 0 : i32
      %dma_wait3A_263 = tpu.memref_slice %arg3[%dma_wait3A_261, %dma_wait3A_262] : memref<16384x256xf32, #tpu.memory_space<hbm>> -> memref<16x256xf32, #tpu.memory_space<hbm>>
      tpu.wait_dma2 semaphore(%dma_wait3A_256 : memref<!tpu.dma_semaphore, #tpu.memory_space<semaphore_mem>>) src(%dma_wait3A_263 : memref<16x256xf32, #tpu.memory_space<hbm>>) dst(%dma_wait3A_260 : memref<16x256xf32, #tpu.memory_space<vmem>>)
      %mul3A_264 = arith.constant 16 : i32
      %mul3A_265 = arith.muli %add3A_245, %mul3A_264 : i32
      %add3A_266 = arith.addi %mul3A_2, %mul3A_265 : i32
      %dma_start3A_267 = arith.constant 2 : i32
      %dma_start3A_268 = arith.constant 2 : i32
      %dma_start3A_269 = arith.constant 0 : i32
      %dma_start3A_270 = arith.constant 0 : i32
      %dma_start3A_271 = tpu.memref_slice %arg9[%dma_start3A_267, %dma_start3A_269, %dma_start3A_270] : memref<4x16x256xf32, #tpu.memory_space<vmem>> -> memref<1x16x256xf32, #tpu.memory_space<vmem>>
      %dma_start3A_272 = tpu.memref_squeeze %dma_start3A_271 : memref<1x16x256xf32, #tpu.memory_space<vmem>> -> memref<16x256xf32, #tpu.memory_space<vmem>>
      %dma_start3A_273 = arith.constant 0 : i32
      %dma_start3A_274 = tpu.memref_slice %arg4[%add3A_266, %dma_start3A_273] : memref<16384x256xf32, #tpu.memory_space<hbm>> -> memref<16x256xf32, #tpu.memory_space<hbm>>
      %dma_start3A_275 = tpu.memref_slice %arg13[%dma_start3A_268] : memref<4x!tpu.dma_semaphore, #tpu.memory_space<semaphore_mem>> -> memref<1x!tpu.dma_semaphore, #tpu.memory_space<semaphore_mem>>
      %dma_start3A_276 = tpu.memref_squeeze %dma_start3A_275 : memref<1x!tpu.dma_semaphore, #tpu.memory_space<semaphore_mem>> -> memref<!tpu.dma_semaphore, #tpu.memory_space<semaphore_mem>>
      %dma_start3A_277 = arith.constant 0 : i32
      %dma_start3A_278 = tpu.memref_slice %arg4[%add3A_266, %dma_start3A_277] : memref<16384x256xf32, #tpu.memory_space<hbm>> -> memref<16x256xf32, #tpu.memory_space<hbm>>
      %dma_start3A_279 = arith.constant 0 : i32
      %dma_start3A_280 = arith.constant 0 : i32
      %dma_start3A_281 = tpu.memref_slice %arg9[%dma_start3A_267, %dma_start3A_279, %dma_start3A_280] : memref<4x16x256xf32, #tpu.memory_space<vmem>> -> memref<1x16x256xf32, #tpu.memory_space<vmem>>
      %dma_start3A_282 = tpu.memref_squeeze %dma_start3A_281 : memref<1x16x256xf32, #tpu.memory_space<vmem>> -> memref<16x256xf32, #tpu.memory_space<vmem>>
      tpu.enqueue_dma source(%dma_start3A_282 : memref<16x256xf32, #tpu.memory_space<vmem>>) target(%dma_start3A_278 : memref<16x256xf32, #tpu.memory_space<hbm>>) target_semaphore(%dma_start3A_276 : memref<!tpu.dma_semaphore, #tpu.memory_space<semaphore_mem>>)
      %add3A_283 = arith.constant 4 : i32
      %add3A_284 = arith.addi %add3A_245, %add3A_283 : i32
      %lt3A_285 = arith.constant 32 : i32
      %lt3A_286 = arith.cmpi slt, %add3A_284, %lt3A_285 : i32
      %convert_element_type3A_287 = arith.extui %lt3A_286 : i1 to i32
      %cond3A_288 = arith.constant 0 : i32
      %cond3A_289 = arith.cmpi ne, %convert_element_type3A_287, %cond3A_288 : i32
      scf.if %cond3A_289 {
        %dma_wait3A_338 = arith.constant 2 : i32
        %dma_wait3A_339 = arith.constant 2 : i32
        %dma_wait3A_340 = arith.constant 0 : i32
        %dma_wait3A_341 = arith.constant 0 : i32
        %dma_wait3A_342 = tpu.memref_slice %arg9[%dma_wait3A_338, %dma_wait3A_340, %dma_wait3A_341] : memref<4x16x256xf32, #tpu.memory_space<vmem>> -> memref<1x16x256xf32, #tpu.memory_space<vmem>>
        %dma_wait3A_343 = tpu.memref_squeeze %dma_wait3A_342 : memref<1x16x256xf32, #tpu.memory_space<vmem>> -> memref<16x256xf32, #tpu.memory_space<vmem>>
        %dma_wait3A_344 = arith.constant 0 : i32
        %dma_wait3A_345 = tpu.memref_slice %arg4[%mul3A_2, %dma_wait3A_344] : memref<16384x256xf32, #tpu.memory_space<hbm>> -> memref<16x256xf32, #tpu.memory_space<hbm>>
        %dma_wait3A_346 = tpu.memref_slice %arg13[%dma_wait3A_339] : memref<4x!tpu.dma_semaphore, #tpu.memory_space<semaphore_mem>> -> memref<1x!tpu.dma_semaphore, #tpu.memory_space<semaphore_mem>>
        %dma_wait3A_347 = tpu.memref_squeeze %dma_wait3A_346 : memref<1x!tpu.dma_semaphore, #tpu.memory_space<semaphore_mem>> -> memref<!tpu.dma_semaphore, #tpu.memory_space<semaphore_mem>>
        %dma_wait3A_348 = arith.constant 0 : i32
        %dma_wait3A_349 = tpu.memref_slice %arg4[%mul3A_2, %dma_wait3A_348] : memref<16384x256xf32, #tpu.memory_space<hbm>> -> memref<16x256xf32, #tpu.memory_space<hbm>>
        %dma_wait3A_350 = arith.constant 0 : i32
        %dma_wait3A_351 = arith.constant 0 : i32
        %dma_wait3A_352 = tpu.memref_slice %arg9[%dma_wait3A_338, %dma_wait3A_350, %dma_wait3A_351] : memref<4x16x256xf32, #tpu.memory_space<vmem>> -> memref<1x16x256xf32, #tpu.memory_space<vmem>>
        %dma_wait3A_353 = tpu.memref_squeeze %dma_wait3A_352 : memref<1x16x256xf32, #tpu.memory_space<vmem>> -> memref<16x256xf32, #tpu.memory_space<vmem>>
        tpu.wait_dma2 semaphore(%dma_wait3A_347 : memref<!tpu.dma_semaphore, #tpu.memory_space<semaphore_mem>>) src(%dma_wait3A_353 : memref<16x256xf32, #tpu.memory_space<vmem>>) dst(%dma_wait3A_349 : memref<16x256xf32, #tpu.memory_space<hbm>>)
        %add3A_354 = arith.constant 4 : i32
        %add3A_355 = arith.addi %add3A_245, %add3A_354 : i32
        %mul3A_356 = arith.constant 16 : i32
        %mul3A_357 = arith.muli %add3A_355, %mul3A_356 : i32
        %get3A_358 = arith.index_cast %mul3A_357 : i32 to index
        %get3A_359 = tpu.vector_load %arg5[%get3A_358] {strides = array<i32>} : memref<512xi32, #tpu.memory_space<vmem>>, vector<16xi32>,
        %gather3A_360 = tpu.vector_load_idx %arg8[%get3A_359] : memref<100000xi32, #tpu.memory_space<vmem>>[vector<16xi32>], vector<16xi32>,
        %dma_start3A_361 = arith.constant 2 : i32
        %dma_start3A_362 = arith.constant 2 : i32
        %dma_start3A_363 = arith.constant 0 : i32
        %dma_start3A_364 = arith.constant 0 : i32
        %dma_start3A_365 = tpu.memref_slice %arg9[%dma_start3A_361, %dma_start3A_363, %dma_start3A_364] : memref<4x16x256xf32, #tpu.memory_space<vmem>> -> memref<1x16x256xf32, #tpu.memory_space<vmem>>
        %dma_start3A_366 = tpu.memref_squeeze %dma_start3A_365 : memref<1x16x256xf32, #tpu.memory_space<vmem>> -> memref<16x256xf32, #tpu.memory_space<vmem>>
        %dma_start3A_367 = arith.constant 0 : i32
        %dma_start3A_368 = arith.constant 0 : i32
        %dma_start3A_369 = tpu.memref_slice %arg3[%dma_start3A_367, %dma_start3A_368] : memref<16384x256xf32, #tpu.memory_space<hbm>> -> memref<16384x256xf32, #tpu.memory_space<hbm>>
        %dma_start3A_370 = tpu.memref_slice %arg12[%dma_start3A_362] : memref<4x!tpu.dma_semaphore, #tpu.memory_space<semaphore_mem>> -> memref<1x!tpu.dma_semaphore, #tpu.memory_space<semaphore_mem>>
        %dma_start3A_371 = tpu.memref_squeeze %dma_start3A_370 : memref<1x!tpu.dma_semaphore, #tpu.memory_space<semaphore_mem>> -> memref<!tpu.dma_semaphore, #tpu.memory_space<semaphore_mem>>
        tpu.enqueue_indirect_dma source(%dma_start3A_369 : memref<16384x256xf32, #tpu.memory_space<hbm>>) target(%dma_start3A_366 : memref<16x256xf32, #tpu.memory_space<vmem>>) offsets(%gather3A_360 : vector<16xi32>) semaphore(%dma_start3A_371 : memref<!tpu.dma_semaphore, #tpu.memory_space<semaphore_mem>>)
      } else {
      }
      %mul3A_290 = arith.constant 4 : i32
      %mul3A_291 = arith.muli %scan3A_148, %mul3A_290 : i32
      %add3A_292 = arith.constant 3 : i32
      %add3A_293 = arith.addi %mul3A_291, %add3A_292 : i32
      %dma_wait3A_294 = arith.constant 3 : i32
      %dma_wait3A_295 = arith.constant 3 : i32
      %dma_wait3A_296 = arith.constant 0 : i32
      %dma_wait3A_297 = arith.constant 0 : i32
      %dma_wait3A_298 = tpu.memref_slice %arg9[%dma_wait3A_294, %dma_wait3A_296, %dma_wait3A_297] : memref<4x16x256xf32, #tpu.memory_space<vmem>> -> memref<1x16x256xf32, #tpu.memory_space<vmem>>
      %dma_wait3A_299 = tpu.memref_squeeze %dma_wait3A_298 : memref<1x16x256xf32, #tpu.memory_space<vmem>> -> memref<16x256xf32, #tpu.memory_space<vmem>>
      %dma_wait3A_300 = arith.constant 0 : i32
      %dma_wait3A_301 = arith.constant 0 : i32
      %dma_wait3A_302 = tpu.memref_slice %arg3[%dma_wait3A_300, %dma_wait3A_301] : memref<16384x256xf32, #tpu.memory_space<hbm>> -> memref<16x256xf32, #tpu.memory_space<hbm>>
      %dma_wait3A_303 = tpu.memref_slice %arg12[%dma_wait3A_295] : memref<4x!tpu.dma_semaphore, #tpu.memory_space<semaphore_mem>> -> memref<1x!tpu.dma_semaphore, #tpu.memory_space<semaphore_mem>>
      %dma_wait3A_304 = tpu.memref_squeeze %dma_wait3A_303 : memref<1x!tpu.dma_semaphore, #tpu.memory_space<semaphore_mem>> -> memref<!tpu.dma_semaphore, #tpu.memory_space<semaphore_mem>>
      %dma_wait3A_305 = arith.constant 0 : i32
      %dma_wait3A_306 = arith.constant 0 : i32
      %dma_wait3A_307 = tpu.memref_slice %arg9[%dma_wait3A_294, %dma_wait3A_305, %dma_wait3A_306] : memref<4x16x256xf32, #tpu.memory_space<vmem>> -> memref<1x16x256xf32, #tpu.memory_space<vmem>>
      %dma_wait3A_308 = tpu.memref_squeeze %dma_wait3A_307 : memref<1x16x256xf32, #tpu.memory_space<vmem>> -> memref<16x256xf32, #tpu.memory_space<vmem>>
      %dma_wait3A_309 = arith.constant 0 : i32
      %dma_wait3A_310 = arith.constant 0 : i32
      %dma_wait3A_311 = tpu.memref_slice %arg3[%dma_wait3A_309, %dma_wait3A_310] : memref<16384x256xf32, #tpu.memory_space<hbm>> -> memref<16x256xf32, #tpu.memory_space<hbm>>
      tpu.wait_dma2 semaphore(%dma_wait3A_304 : memref<!tpu.dma_semaphore, #tpu.memory_space<semaphore_mem>>) src(%dma_wait3A_311 : memref<16x256xf32, #tpu.memory_space<hbm>>) dst(%dma_wait3A_308 : memref<16x256xf32, #tpu.memory_space<vmem>>)
      %mul3A_312 = arith.constant 16 : i32
      %mul3A_313 = arith.muli %add3A_293, %mul3A_312 : i32
      %add3A_314 = arith.addi %mul3A_2, %mul3A_313 : i32
      %dma_start3A_315 = arith.constant 3 : i32
      %dma_start3A_316 = arith.constant 3 : i32
      %dma_start3A_317 = arith.constant 0 : i32
      %dma_start3A_318 = arith.constant 0 : i32
      %dma_start3A_319 = tpu.memref_slice %arg9[%dma_start3A_315, %dma_start3A_317, %dma_start3A_318] : memref<4x16x256xf32, #tpu.memory_space<vmem>> -> memref<1x16x256xf32, #tpu.memory_space<vmem>>
      %dma_start3A_320 = tpu.memref_squeeze %dma_start3A_319 : memref<1x16x256xf32, #tpu.memory_space<vmem>> -> memref<16x256xf32, #tpu.memory_space<vmem>>
      %dma_start3A_321 = arith.constant 0 : i32
      %dma_start3A_322 = tpu.memref_slice %arg4[%add3A_314, %dma_start3A_321] : memref<16384x256xf32, #tpu.memory_space<hbm>> -> memref<16x256xf32, #tpu.memory_space<hbm>>
      %dma_start3A_323 = tpu.memref_slice %arg13[%dma_start3A_316] : memref<4x!tpu.dma_semaphore, #tpu.memory_space<semaphore_mem>> -> memref<1x!tpu.dma_semaphore, #tpu.memory_space<semaphore_mem>>
      %dma_start3A_324 = tpu.memref_squeeze %dma_start3A_323 : memref<1x!tpu.dma_semaphore, #tpu.memory_space<semaphore_mem>> -> memref<!tpu.dma_semaphore, #tpu.memory_space<semaphore_mem>>
      %dma_start3A_325 = arith.constant 0 : i32
      %dma_start3A_326 = tpu.memref_slice %arg4[%add3A_314, %dma_start3A_325] : memref<16384x256xf32, #tpu.memory_space<hbm>> -> memref<16x256xf32, #tpu.memory_space<hbm>>
      %dma_start3A_327 = arith.constant 0 : i32
      %dma_start3A_328 = arith.constant 0 : i32
      %dma_start3A_329 = tpu.memref_slice %arg9[%dma_start3A_315, %dma_start3A_327, %dma_start3A_328] : memref<4x16x256xf32, #tpu.memory_space<vmem>> -> memref<1x16x256xf32, #tpu.memory_space<vmem>>
      %dma_start3A_330 = tpu.memref_squeeze %dma_start3A_329 : memref<1x16x256xf32, #tpu.memory_space<vmem>> -> memref<16x256xf32, #tpu.memory_space<vmem>>
      tpu.enqueue_dma source(%dma_start3A_330 : memref<16x256xf32, #tpu.memory_space<vmem>>) target(%dma_start3A_326 : memref<16x256xf32, #tpu.memory_space<hbm>>) target_semaphore(%dma_start3A_324 : memref<!tpu.dma_semaphore, #tpu.memory_space<semaphore_mem>>)
      %add3A_331 = arith.constant 4 : i32
      %add3A_332 = arith.addi %add3A_293, %add3A_331 : i32
      %lt3A_333 = arith.constant 32 : i32
      %lt3A_334 = arith.cmpi slt, %add3A_332, %lt3A_333 : i32
      %convert_element_type3A_335 = arith.extui %lt3A_334 : i1 to i32
      %cond3A_336 = arith.constant 0 : i32
      %cond3A_337 = arith.cmpi ne, %convert_element_type3A_335, %cond3A_336 : i32
      scf.if %cond3A_337 {
        %dma_wait3A_338 = arith.constant 3 : i32
        %dma_wait3A_339 = arith.constant 3 : i32
        %dma_wait3A_340 = arith.constant 0 : i32
        %dma_wait3A_341 = arith.constant 0 : i32
        %dma_wait3A_342 = tpu.memref_slice %arg9[%dma_wait3A_338, %dma_wait3A_340, %dma_wait3A_341] : memref<4x16x256xf32, #tpu.memory_space<vmem>> -> memref<1x16x256xf32, #tpu.memory_space<vmem>>
        %dma_wait3A_343 = tpu.memref_squeeze %dma_wait3A_342 : memref<1x16x256xf32, #tpu.memory_space<vmem>> -> memref<16x256xf32, #tpu.memory_space<vmem>>
        %dma_wait3A_344 = arith.constant 0 : i32
        %dma_wait3A_345 = tpu.memref_slice %arg4[%mul3A_2, %dma_wait3A_344] : memref<16384x256xf32, #tpu.memory_space<hbm>> -> memref<16x256xf32, #tpu.memory_space<hbm>>
        %dma_wait3A_346 = tpu.memref_slice %arg13[%dma_wait3A_339] : memref<4x!tpu.dma_semaphore, #tpu.memory_space<semaphore_mem>> -> memref<1x!tpu.dma_semaphore, #tpu.memory_space<semaphore_mem>>
        %dma_wait3A_347 = tpu.memref_squeeze %dma_wait3A_346 : memref<1x!tpu.dma_semaphore, #tpu.memory_space<semaphore_mem>> -> memref<!tpu.dma_semaphore, #tpu.memory_space<semaphore_mem>>
        %dma_wait3A_348 = arith.constant 0 : i32
        %dma_wait3A_349 = tpu.memref_slice %arg4[%mul3A_2, %dma_wait3A_348] : memref<16384x256xf32, #tpu.memory_space<hbm>> -> memref<16x256xf32, #tpu.memory_space<hbm>>
        %dma_wait3A_350 = arith.constant 0 : i32
        %dma_wait3A_351 = arith.constant 0 : i32
        %dma_wait3A_352 = tpu.memref_slice %arg9[%dma_wait3A_338, %dma_wait3A_350, %dma_wait3A_351] : memref<4x16x256xf32, #tpu.memory_space<vmem>> -> memref<1x16x256xf32, #tpu.memory_space<vmem>>
        %dma_wait3A_353 = tpu.memref_squeeze %dma_wait3A_352 : memref<1x16x256xf32, #tpu.memory_space<vmem>> -> memref<16x256xf32, #tpu.memory_space<vmem>>
        tpu.wait_dma2 semaphore(%dma_wait3A_347 : memref<!tpu.dma_semaphore, #tpu.memory_space<semaphore_mem>>) src(%dma_wait3A_353 : memref<16x256xf32, #tpu.memory_space<vmem>>) dst(%dma_wait3A_349 : memref<16x256xf32, #tpu.memory_space<hbm>>)
        %add3A_354 = arith.constant 4 : i32
        %add3A_355 = arith.addi %add3A_293, %add3A_354 : i32
        %mul3A_356 = arith.constant 16 : i32
        %mul3A_357 = arith.muli %add3A_355, %mul3A_356 : i32
        %get3A_358 = arith.index_cast %mul3A_357 : i32 to index
        %get3A_359 = tpu.vector_load %arg5[%get3A_358] {strides = array<i32>} : memref<512xi32, #tpu.memory_space<vmem>>, vector<16xi32>,
        %gather3A_360 = tpu.vector_load_idx %arg8[%get3A_359] : memref<100000xi32, #tpu.memory_space<vmem>>[vector<16xi32>], vector<16xi32>,
        %dma_start3A_361 = arith.constant 3 : i32
        %dma_start3A_362 = arith.constant 3 : i32
        %dma_start3A_363 = arith.constant 0 : i32
        %dma_start3A_364 = arith.constant 0 : i32
        %dma_start3A_365 = tpu.memref_slice %arg9[%dma_start3A_361, %dma_start3A_363, %dma_start3A_364] : memref<4x16x256xf32, #tpu.memory_space<vmem>> -> memref<1x16x256xf32, #tpu.memory_space<vmem>>
        %dma_start3A_366 = tpu.memref_squeeze %dma_start3A_365 : memref<1x16x256xf32, #tpu.memory_space<vmem>> -> memref<16x256xf32, #tpu.memory_space<vmem>>
        %dma_start3A_367 = arith.constant 0 : i32
        %dma_start3A_368 = arith.constant 0 : i32
        %dma_start3A_369 = tpu.memref_slice %arg3[%dma_start3A_367, %dma_start3A_368] : memref<16384x256xf32, #tpu.memory_space<hbm>> -> memref<16384x256xf32, #tpu.memory_space<hbm>>
        %dma_start3A_370 = tpu.memref_slice %arg12[%dma_start3A_362] : memref<4x!tpu.dma_semaphore, #tpu.memory_space<semaphore_mem>> -> memref<1x!tpu.dma_semaphore, #tpu.memory_space<semaphore_mem>>
        %dma_start3A_371 = tpu.memref_squeeze %dma_start3A_370 : memref<1x!tpu.dma_semaphore, #tpu.memory_space<semaphore_mem>> -> memref<!tpu.dma_semaphore, #tpu.memory_space<semaphore_mem>>
        tpu.enqueue_indirect_dma source(%dma_start3A_369 : memref<16384x256xf32, #tpu.memory_space<hbm>>) target(%dma_start3A_366 : memref<16x256xf32, #tpu.memory_space<vmem>>) offsets(%gather3A_360 : vector<16xi32>) semaphore(%dma_start3A_371 : memref<!tpu.dma_semaphore, #tpu.memory_space<semaphore_mem>>)
      } else {
      }
    }
    %scan3A_83 = arith.constant 8 : i32
    %dma_wait3A_84 = arith.constant 0 : i32
    %dma_wait3A_85 = arith.constant 0 : i32
    %dma_wait3A_86 = arith.constant 0 : i32
    %dma_wait3A_87 = arith.constant 0 : i32
    %dma_wait3A_88 = tpu.memref_slice %arg9[%dma_wait3A_84, %dma_wait3A_86, %dma_wait3A_87] : memref<4x16x256xf32, #tpu.memory_space<vmem>> -> memref<1x16x256xf32, #tpu.memory_space<vmem>>
    %dma_wait3A_89 = tpu.memref_squeeze %dma_wait3A_88 : memref<1x16x256xf32, #tpu.memory_space<vmem>> -> memref<16x256xf32, #tpu.memory_space<vmem>>
    %dma_wait3A_90 = arith.constant 0 : i32
    %dma_wait3A_91 = tpu.memref_slice %arg4[%mul3A_2, %dma_wait3A_90] : memref<16384x256xf32, #tpu.memory_space<hbm>> -> memref<16x256xf32, #tpu.memory_space<hbm>>
    %dma_wait3A_92 = tpu.memref_slice %arg13[%dma_wait3A_85] : memref<4x!tpu.dma_semaphore, #tpu.memory_space<semaphore_mem>> -> memref<1x!tpu.dma_semaphore, #tpu.memory_space<semaphore_mem>>
    %dma_wait3A_93 = tpu.memref_squeeze %dma_wait3A_92 : memref<1x!tpu.dma_semaphore, #tpu.memory_space<semaphore_mem>> -> memref<!tpu.dma_semaphore, #tpu.memory_space<semaphore_mem>>
    %dma_wait3A_94 = arith.constant 0 : i32
    %dma_wait3A_95 = tpu.memref_slice %arg4[%mul3A_2, %dma_wait3A_94] : memref<16384x256xf32, #tpu.memory_space<hbm>> -> memref<16x256xf32, #tpu.memory_space<hbm>>
    %dma_wait3A_96 = arith.constant 0 : i32
    %dma_wait3A_97 = arith.constant 0 : i32
    %dma_wait3A_98 = tpu.memref_slice %arg9[%dma_wait3A_84, %dma_wait3A_96, %dma_wait3A_97] : memref<4x16x256xf32, #tpu.memory_space<vmem>> -> memref<1x16x256xf32, #tpu.memory_space<vmem>>
    %dma_wait3A_99 = tpu.memref_squeeze %dma_wait3A_98 : memref<1x16x256xf32, #tpu.memory_space<vmem>> -> memref<16x256xf32, #tpu.memory_space<vmem>>
    tpu.wait_dma2 semaphore(%dma_wait3A_93 : memref<!tpu.dma_semaphore, #tpu.memory_space<semaphore_mem>>) src(%dma_wait3A_99 : memref<16x256xf32, #tpu.memory_space<vmem>>) dst(%dma_wait3A_95 : memref<16x256xf32, #tpu.memory_space<hbm>>)
    %dma_wait3A_100 = arith.constant 1 : i32
    %dma_wait3A_101 = arith.constant 1 : i32
    %dma_wait3A_102 = arith.constant 0 : i32
    %dma_wait3A_103 = arith.constant 0 : i32
    %dma_wait3A_104 = tpu.memref_slice %arg9[%dma_wait3A_100, %dma_wait3A_102, %dma_wait3A_103] : memref<4x16x256xf32, #tpu.memory_space<vmem>> -> memref<1x16x256xf32, #tpu.memory_space<vmem>>
    %dma_wait3A_105 = tpu.memref_squeeze %dma_wait3A_104 : memref<1x16x256xf32, #tpu.memory_space<vmem>> -> memref<16x256xf32, #tpu.memory_space<vmem>>
    %dma_wait3A_106 = arith.constant 0 : i32
    %dma_wait3A_107 = tpu.memref_slice %arg4[%mul3A_2, %dma_wait3A_106] : memref<16384x256xf32, #tpu.memory_space<hbm>> -> memref<16x256xf32, #tpu.memory_space<hbm>>
    %dma_wait3A_108 = tpu.memref_slice %arg13[%dma_wait3A_101] : memref<4x!tpu.dma_semaphore, #tpu.memory_space<semaphore_mem>> -> memref<1x!tpu.dma_semaphore, #tpu.memory_space<semaphore_mem>>
    %dma_wait3A_109 = tpu.memref_squeeze %dma_wait3A_108 : memref<1x!tpu.dma_semaphore, #tpu.memory_space<semaphore_mem>> -> memref<!tpu.dma_semaphore, #tpu.memory_space<semaphore_mem>>
    %dma_wait3A_110 = arith.constant 0 : i32
    %dma_wait3A_111 = tpu.memref_slice %arg4[%mul3A_2, %dma_wait3A_110] : memref<16384x256xf32, #tpu.memory_space<hbm>> -> memref<16x256xf32, #tpu.memory_space<hbm>>
    %dma_wait3A_112 = arith.constant 0 : i32
    %dma_wait3A_113 = arith.constant 0 : i32
    %dma_wait3A_114 = tpu.memref_slice %arg9[%dma_wait3A_100, %dma_wait3A_112, %dma_wait3A_113] : memref<4x16x256xf32, #tpu.memory_space<vmem>> -> memref<1x16x256xf32, #tpu.memory_space<vmem>>
    %dma_wait3A_115 = tpu.memref_squeeze %dma_wait3A_114 : memref<1x16x256xf32, #tpu.memory_space<vmem>> -> memref<16x256xf32, #tpu.memory_space<vmem>>
    tpu.wait_dma2 semaphore(%dma_wait3A_109 : memref<!tpu.dma_semaphore, #tpu.memory_space<semaphore_mem>>) src(%dma_wait3A_115 : memref<16x256xf32, #tpu.memory_space<vmem>>) dst(%dma_wait3A_111 : memref<16x256xf32, #tpu.memory_space<hbm>>)
    %dma_wait3A_116 = arith.constant 2 : i32
    %dma_wait3A_117 = arith.constant 2 : i32
    %dma_wait3A_118 = arith.constant 0 : i32
    %dma_wait3A_119 = arith.constant 0 : i32
    %dma_wait3A_120 = tpu.memref_slice %arg9[%dma_wait3A_116, %dma_wait3A_118, %dma_wait3A_119] : memref<4x16x256xf32, #tpu.memory_space<vmem>> -> memref<1x16x256xf32, #tpu.memory_space<vmem>>
    %dma_wait3A_121 = tpu.memref_squeeze %dma_wait3A_120 : memref<1x16x256xf32, #tpu.memory_space<vmem>> -> memref<16x256xf32, #tpu.memory_space<vmem>>
    %dma_wait3A_122 = arith.constant 0 : i32
    %dma_wait3A_123 = tpu.memref_slice %arg4[%mul3A_2, %dma_wait3A_122] : memref<16384x256xf32, #tpu.memory_space<hbm>> -> memref<16x256xf32, #tpu.memory_space<hbm>>
    %dma_wait3A_124 = tpu.memref_slice %arg13[%dma_wait3A_117] : memref<4x!tpu.dma_semaphore, #tpu.memory_space<semaphore_mem>> -> memref<1x!tpu.dma_semaphore, #tpu.memory_space<semaphore_mem>>
    %dma_wait3A_125 = tpu.memref_squeeze %dma_wait3A_124 : memref<1x!tpu.dma_semaphore, #tpu.memory_space<semaphore_mem>> -> memref<!tpu.dma_semaphore, #tpu.memory_space<semaphore_mem>>
    %dma_wait3A_126 = arith.constant 0 : i32
    %dma_wait3A_127 = tpu.memref_slice %arg4[%mul3A_2, %dma_wait3A_126] : memref<16384x256xf32, #tpu.memory_space<hbm>> -> memref<16x256xf32, #tpu.memory_space<hbm>>
    %dma_wait3A_128 = arith.constant 0 : i32
    %dma_wait3A_129 = arith.constant 0 : i32
    %dma_wait3A_130 = tpu.memref_slice %arg9[%dma_wait3A_116, %dma_wait3A_128, %dma_wait3A_129] : memref<4x16x256xf32, #tpu.memory_space<vmem>> -> memref<1x16x256xf32, #tpu.memory_space<vmem>>
    %dma_wait3A_131 = tpu.memref_squeeze %dma_wait3A_130 : memref<1x16x256xf32, #tpu.memory_space<vmem>> -> memref<16x256xf32, #tpu.memory_space<vmem>>
    tpu.wait_dma2 semaphore(%dma_wait3A_125 : memref<!tpu.dma_semaphore, #tpu.memory_space<semaphore_mem>>) src(%dma_wait3A_131 : memref<16x256xf32, #tpu.memory_space<vmem>>) dst(%dma_wait3A_127 : memref<16x256xf32, #tpu.memory_space<hbm>>)
    %dma_wait3A_132 = arith.constant 3 : i32
    %dma_wait3A_133 = arith.constant 3 : i32
    %dma_wait3A_134 = arith.constant 0 : i32
    %dma_wait3A_135 = arith.constant 0 : i32
    %dma_wait3A_136 = tpu.memref_slice %arg9[%dma_wait3A_132, %dma_wait3A_134, %dma_wait3A_135] : memref<4x16x256xf32, #tpu.memory_space<vmem>> -> memref<1x16x256xf32, #tpu.memory_space<vmem>>
    %dma_wait3A_137 = tpu.memref_squeeze %dma_wait3A_136 : memref<1x16x256xf32, #tpu.memory_space<vmem>> -> memref<16x256xf32, #tpu.memory_space<vmem>>
    %dma_wait3A_138 = arith.constant 0 : i32
    %dma_wait3A_139 = tpu.memref_slice %arg4[%mul3A_2, %dma_wait3A_138] : memref<16384x256xf32, #tpu.memory_space<hbm>> -> memref<16x256xf32, #tpu.memory_space<hbm>>
    %dma_wait3A_140 = tpu.memref_slice %arg13[%dma_wait3A_133] : memref<4x!tpu.dma_semaphore, #tpu.memory_space<semaphore_mem>> -> memref<1x!tpu.dma_semaphore, #tpu.memory_space<semaphore_mem>>
    %dma_wait3A_141 = tpu.memref_squeeze %dma_wait3A_140 : memref<1x!tpu.dma_semaphore, #tpu.memory_space<semaphore_mem>> -> memref<!tpu.dma_semaphore, #tpu.memory_space<semaphore_mem>>
    %dma_wait3A_142 = arith.constant 0 : i32
    %dma_wait3A_143 = tpu.memref_slice %arg4[%mul3A_2, %dma_wait3A_142] : memref<16384x256xf32, #tpu.memory_space<hbm>> -> memref<16x256xf32, #tpu.memory_space<hbm>>
    %dma_wait3A_144 = arith.constant 0 : i32
    %dma_wait3A_145 = arith.constant 0 : i32
    %dma_wait3A_146 = tpu.memref_slice %arg9[%dma_wait3A_132, %dma_wait3A_144, %dma_wait3A_145] : memref<4x16x256xf32, #tpu.memory_space<vmem>> -> memref<1x16x256xf32, #tpu.memory_space<vmem>>
    %dma_wait3A_147 = tpu.memref_squeeze %dma_wait3A_146 : memref<1x16x256xf32, #tpu.memory_space<vmem>> -> memref<16x256xf32, #tpu.memory_space<vmem>>
    tpu.wait_dma2 semaphore(%dma_wait3A_141 : memref<!tpu.dma_semaphore, #tpu.memory_space<semaphore_mem>>) src(%dma_wait3A_147 : memref<16x256xf32, #tpu.memory_space<vmem>>) dst(%dma_wait3A_143 : memref<16x256xf32, #tpu.memory_space<hbm>>)
    return
  }
}

</mosaic_0001>

<sc_bundles>
// kernel: _run.3.cloned.1.call-start
scs
__scs_entry_jumppad:
0x0: {  	(pc) =	sbr.rel $0x88, $3  }
0x1: {  	(tag) =	ssettag $0x0;
	lr =	simm.s32 $0x1  }
0x2: {  	[smem:$0x3F9F] =	sst lr;
	_ =	strace $0xD0000000  }
0x3: {  	_ = 	snop  }
0x4: {  	_ = 	snop  }
0x5: {  	_ = 	snop  }
0x6: {  	_ = 	snop  }
0x7: {  	_ = 	snop  }
__scs_overlays_trampoline_lowered:
0x8: {  	[smem:$0x3FAE] =	sst s0  }
0x9: {  	[smem:$0x3FAF] =	sst s1  }
0xa: {  	[smem:$0x3FB0] =	sst s2  }
0xb: {  	[smem:$0x3FB1] =	sst s3  }
0xc: {  	[smem:$0x3FB2] =	sst s4  }
0xd: {  	[smem:$0x3FB3] =	sst s5  }
0xe: {  	[smem:$0x3FB4] =	sst s6  }
0xf: {  	[smem:$0x3FB5] =	sst s7  }
0x10: {  	[smem:$0x3FB6] =	sst s8  }
0x11: {  	[smem:$0x3FB7] =	sst s9;
	s0 =	simm.s32 @!p0 $0x0  }
0x12: {  	s1 =	sld [smem:$0x3F9D];
	s0 =	simm.s32 @p0 $0x1  }
0x13: {  	[smem:$0x3FB8] =	sst s0;
	s0 =	simm.s32 @!p1 $0x0  }
0x14: {  	s2 =	sld [smem:$0x3F9C];
	s0 =	simm.s32 @p1 $0x1  }
0x15: {  	[smem:$0x3FB9] =	sst s0;
	s0 =	simm.s32 @!p2 $0x0  }
0x16: {  	s3 =	sld [smem:$0x3FDB];
	s0 =	simm.s32 @p2 $0x1  }
0x17: {  	s4 =	simm.s32 $0x1BF5;
	[smem:$0x3FBB] =	sst s0  }
0x18: {  	s0 =	sld [smem:$0x3F9E];
	_ =	swait.ge [sflag:s4], $0x0  }
0x19: {  	s7 =	sld [smem:$0x3F9F]  }
0x1a: {  	s8 =	sadd.s32 $0xFFFFE003, lr  }
0x1b: {  	s9 =	sadd.s32 $0xFFFFFEF7, lr;
	s5 =	simm.s32 $0xFFFFFFFF;
	p2 =	slt.u32 s8, $0xFFFFF086  }
0x1c: {  	p1 =	slt.u32 s9, $0xF7A;
	s5 =	simm.s32 @!p2 $0x0  }
0x1d: {  	s5 =	simm.s32 @p1 $0x1;
	p0 =	seq.s32 s7, s2  }
0x1e: {  	s7 =	smul.u32 @!p0 $0xF7A, s2;
	p2 =	seq.s32 @!p0 s5, $0x0  }
0x1f: {  	s9 =	smul.u32 $0xF7A, s1;
	s8 =	simm.s32 @!p0 $0x1BF5;
	p2 =	por !p2, p0  }
0x20: {  	[sflag:s8] =	ssyncset.s32 @!p0 $0xFFFFF086;
	s6 =	sadd.s32 @!p0 s3, s7;
	s7 =	simm.s32 @!p0 $0x108  }
0x21: {  	s3 =	sadd.s32 s3, s9;
	s6 =	sadd.s32 @!p0 $0x88, s6;
	s7 =	simm.s32 @p2 $0x1082  }
0x22: {  	[simem:s7], [sflag:s8] =	dma.local @!p0 [hbm:s6], $0xF7A  }
0x23: {  	s9 =	sor.u32 $0xD0000000, s2;
	s6 =	simm.s32 $0x108;
	_ =	swait.ge @!p0 [sflag:s8], $0x0  }
0x24: {  	s3 =	sadd.s32 $0x88, s3;
	s6 =	simm.s32 @!p1 $0x1082;
	[sflag:s4] =	ssyncset.s32 $0xFFFFF086  }
0x25: {  	[simem:s6], [sflag:s4] =	dma.local [hbm:s3], $0xF7A  }
0x26: {  	[smem:$0x3F9F] =	sst s1;
	(tag) =	ssettag s2;
	_ =	strace s9  }
0x27: {  	s1 =	sld [smem:$0x3FAF]  }
0x28: {  	s2 =	sld [smem:$0x3FB0]  }
0x29: {  	s4 =	sld [smem:$0x3FB2]  }
0x2a: {  	p0 =	seq.s32 s5, $0x0;
	s5 =	sld [smem:$0x3FB3]  }
0x2b: {  	s6 =	sld [smem:$0x3FB4]  }
0x2c: {  	s7 =	sld [smem:$0x3FB5]  }
0x2d: {  	s3 =	simm.s32 $0x108;
	s8 =	sld [smem:$0x3FB6]  }
0x2e: {  	s3 =	simm.s32 @!p0 $0x1082;
	s9 =	sld [smem:$0x3FB7]  }
0x2f: {  	lr =	sadd.s32 s0, s3;
	s0 =	sld [smem:$0x3FAE]  }
0x30: {  	s3 =	sld [smem:$0x3FB1]  }
0x31: {  	[smem:$0x3FBA] =	sst s10  }
0x32: {  	s10 =	sld [smem:$0x3FB8];
	_ =	sdelay $0x3  }
0x33: {  	p0 =	seq.s32 s10, $0x1;
	s10 =	sld [smem:$0x3FBA];
	_ =	sdelay $0x3  }
0x34: {  	[smem:$0x3FBA] =	sst s10  }
0x35: {  	s10 =	sld [smem:$0x3FB9];
	_ =	sdelay $0x3  }
0x36: {  	p1 =	seq.s32 s10, $0x1;
	s10 =	sld [smem:$0x3FBA];
	_ =	sdelay $0x3  }
0x37: {  	[smem:$0x3FBA] =	sst s10  }
0x38: {  	s10 =	sld [smem:$0x3FBB]  }
0x39: {  	_ = 	snop;
	(pc) =	sbr.ind lr, $3  }
0x3a: {  	_ = 	snop  }
0x3b: {  	_ = 	snop  }
0x3c: {  	p2 =	seq.s32 s10, $0x1;
	s10 =	sld [smem:$0x3FBA]  }
0x3d: {  	_ =	shalt  }
0x3e: {  	_ =	shalt  }
0x3f: {  	_ =	shalt  }
0x40: {  	_ =	shalt  }
0x41: {  	_ =	shalt  }
0x42: {  	_ =	shalt  }
0x43: {  	_ =	shalt  }
0x44: {  	_ =	shalt  }
0x45: {  	_ =	shalt  }
0x46: {  	_ =	shalt  }
0x47: {  	_ =	shalt  }
0x48: {  	_ =	shalt  }
0x49: {  	_ =	shalt  }
0x4a: {  	_ =	shalt  }
0x4b: {  	_ =	shalt  }
0x4c: {  	_ =	shalt  }
0x4d: {  	_ =	shalt  }
0x4e: {  	_ =	shalt  }
0x4f: {  	_ =	shalt  }
0x50: {  	_ =	shalt  }
0x51: {  	_ =	shalt  }
0x52: {  	_ =	shalt  }
0x53: {  	_ =	shalt  }
0x54: {  	_ =	shalt  }
0x55: {  	_ =	shalt  }
0x56: {  	_ =	shalt  }
0x57: {  	_ =	shalt  }
0x58: {  	_ =	shalt  }
0x59: {  	_ =	shalt  }
0x5a: {  	_ =	shalt  }
0x5b: {  	_ =	shalt  }
0x5c: {  	_ =	shalt  }
0x5d: {  	_ =	shalt  }
0x5e: {  	_ =	shalt  }
0x5f: {  	_ =	shalt  }
0x60: {  	_ =	shalt  }
0x61: {  	_ =	shalt  }
0x62: {  	_ =	shalt  }
0x63: {  	_ =	shalt  }
0x64: {  	_ =	shalt  }
0x65: {  	_ =	shalt  }
0x66: {  	_ =	shalt  }
0x67: {  	_ =	shalt  }
0x68: {  	_ =	shalt  }
0x69: {  	_ =	shalt  }
0x6a: {  	_ =	shalt  }
0x6b: {  	_ =	shalt  }
0x6c: {  	_ =	shalt  }
0x6d: {  	_ =	shalt  }
0x6e: {  	_ =	shalt  }
0x6f: {  	_ =	shalt  }
0x70: {  	_ =	shalt  }
0x71: {  	_ =	shalt  }
0x72: {  	_ =	shalt  }
0x73: {  	_ =	shalt  }
0x74: {  	_ =	shalt  }
0x75: {  	_ =	shalt  }
0x76: {  	_ =	shalt  }
0x77: {  	_ =	shalt  }
0x78: {  	_ =	shalt  }
0x79: {  	_ =	shalt  }
0x7a: {  	_ =	shalt  }
0x7b: {  	_ =	shalt  }
0x7c: {  	_ =	shalt  }
0x7d: {  	_ =	shalt  }
0x7e: {  	_ =	shalt  }
0x7f: {  	_ =	shalt  }
0x80: {  	_ =	shalt  }
0x81: {  	_ =	shalt  }
0x82: {  	_ =	shalt  }
0x83: {  	_ =	shalt  }
0x84: {  	_ =	shalt  }
0x85: {  	_ =	shalt  }
0x86: {  	_ =	shalt  }
0x87: {  	_ =	shalt  }
.Lfunc_end0:
.L_simem_size_0:
called_computation_lowered:
.L_overlay_start_0:
0x88: {  	s2 =	sld [smem:$0x3FD9]  }
0x89: {  	s3 =	sld [smem:$0x3FFE];
	_ =	sdelay $0x1  }
0x8a: {  	s1 =	srdreg.scid  }
0x8b: {  	s0 =	sand.u32 $0x1, s1  }
0x8c: {  	s18 =	sshll.u32 s0, $0xA;
	s2 =	sadd.s32 s3, s2  }
0x8d: {  	s2 =	sadd.s32 s2, s18  }
0x8e: {  	[smem:$0x3FC6] =	sst s2  }
0x8f: {  	_ = 	snop  }
0x90: {  	s2 =	sld [smem:$0x3FC9]  }
0x91: {  	s19 =	sld [smem:$0x3FC8]  }
0x92: {  	s4 =	sld [smem:$0x3FD0];
	(tm) =	ssettm $0x1  }
0x93: {  	s5 =	sld [smem:$0x3FFB];
	_ =	sdelay $0x3  }
0x94: {  	_ =	strace s5  }
0x95: {  	s5 =	sld [smem:$0x3FFC];
	_ =	sdelay $0x3  }
0x96: {  	_ =	strace s5  }
0x97: {  	s5 =	sld [smem:$0x3FFD];
	_ =	sdelay $0x3  }
0x98: {  	_ =	strace s5  }
0x99: {  	_ =	strace $0x8FFFFFFF  }
0x9a: {  	s20 =	sld [smem:$0x3FDB];
	_ =	sdelay $0x1  }
0x9b: {  	s6 =	simm.s32 $_scs_section_size  }
0x9c: {  	s7 =	simm.s32 $_size__tile_overlayer_lowered;
	s8 =	simm.s32 $_tile_overlayer_lowered  }
0x9d: {  	s23 =	simm.s32 $0x1BFF;
	s22 =	sshll.u32 s8, $0x1;
	s5 =	sadd.s32 s6, s20  }
0x9e: {  	s9 =	simm.s32 $0x0;
	s21 =	sshll.u32 s7, $0x1;
	s7 =	sadd.s32 s22, s5  }
0x9f: {  	[timem:s9], [sflag:s23] =	dma.local [hbm:s7], s21  }
0xa0: {  	_ =	swait.ge [sflag:s23], s21  }
0xa1: {  	s6 =	ssub.s32 $0x0, s21;
	[sflag:s23] =	ssyncset.done $0x0  }
0xa2: {  	[sflag:s23] =	ssyncadd.s32 s6;
	_ =	sdelay $0x1  }
0xa3: {  	s24 =	simm.s32 $0x1B8B  }
0xa4: {  	_ =	swait.ge [sflag:s24], $0x1  }
0xa5: {  	[sflag:s24] =	ssyncset.done $0x0  }
0xa6: {  	s25 =	simm.s32 $0x1B8E;
	[sflag:s24] =	ssyncadd.s32 $0xFFFFFFFF  }
0xa7: {  	s26 =	simm.s32 $execute0_lowered;
	[smem:$0x3FD2] =	sst s25  }
0xa8: {  	s6 =	sshll.u32 s26, $0x1;
	_ =	strace $0x80000046;
	[dreg:$0x1] =	wrdreg $0xFFFFFFFF  }
0xa9: {  	s28 =	simm.s32 $_size_execute0_lowered;
	s5 =	sadd.s32 s5, s6;
	[dreg:$0x0] =	wrdreg $0x0  }
0xaa: {  	s6 =	sshll.u32 s28, $0x1;
	[dreg:$0x2] =	wrdreg s5  }
0xab: {  	[dreg:$0x3] =	wrdreg s6  }
0xac: {  	[dreg:$0x4] =	wrdreg $0xC0  }
0xad: {  	_ =	task [dreg:s9], $0x5FFFF  }
0xae: {  	[dreg:$0x1] =	wrdreg $0xFFFFFFFF  }
0xaf: {  	[dreg:$0x0] =	wrdreg $0x60  }
0xb0: {  	[dreg:$0x2] =	wrdreg s2  }
0xb1: {  	[dreg:$0x3] =	wrdreg s19  }
0xb2: {  	[dreg:$0x4] =	wrdreg s4  }
0xb3: {  	[dreg:$0x5] =	wrdreg $0x9  }
0xb4: {  	_ =	task.clear_ibuf [dreg:s9], $0x6FFFF;
	_ =	strace $0x90000046  }
0xb5: {  	s29 =	simm.s32 $0x9;
	_ =	strace $0x80000048  }
0xb6: {  	_ =	swait.ge [sflag:s29], $0x1  }
0xb7: {  	[sflag:s29] =	ssyncadd.s32 $0xFFFFFFFF  }
0xb8: {  	_ =	strace $0x90000048  }
0xb9: {  	_ =	sfence  }
0xba: {  	s30 =	sld [smem:$0x0];
	_ =	sdelay $0x2  }
0xbb: {  	s31 =	sshll.u32 s1, $0xD;
	s1 =	sshrl.u32 s1, $0x2  }
0xbc: {  	s3 =	sand.u32 $0x4000, s31;
	s1 =	sadd.s32 s1, s30  }
0xbd: {  	s0 =	sor.u32 s3, s0;
	s1 =	sshll.u32 s1, $0x11  }
0xbe: {  	s0 =	sor.u32 s1, s0  }
0xbf: {  	s0 =	sadd.s32 $0x8F2B, s0  }
0xc0: {  	[sflag:s0] =	ssyncadd.remote.s32 $0x1  }
0xc1: {  	_ =	sfence.sel $0xFFFF  }
0xc2: {  	[dreg:$0x0] =	wrdreg $0xFFFFFFFF;
	(pc) =	sbr.abs _section_cstart, $3  }
0xc3: {  	[dreg:$0x1] =	wrdreg $0xFFFFFFFF  }
0xc4: {  	_ =	task.clear_ibuf [dreg:s9], $0x2FFFF;
	_ =	strace $0x9FFFFFFF  }
0xc5: {  	(tm) =	ssettm $0x7FFFFFFF  }
tec
execute0_lowered:
.L_overlay_start_1:
0x0: {  	(tag) =	ssettag $0x1  }
0x1: {  	s1 =	rddreg [dreg:$0x0]  }
0x2: {  	s3 =	rddreg [dreg:$0x1]  }
0x3: {  	s0 =	rddreg [dreg:$0x2]  }
0x4: {  	s2 =	srdreg.scid;
	s10 =	stileid.u32  }
0x5: {  	s4 =	simm.s32 $0x0;
	s12 =	simm.s32 $0x1200;
	s13 =	simm.s32 $0x2  }
0x6: {  	s14 =	simm.s32 $0x2200;
	s15 =	simm.s32 $0x3;
	s16 =	simm.s32 $0x1  }
0x7: {  	s17 =	simm.s32 $0x1A900;
	s19 =	simm.s32 $0x1B900;
	s21 =	simm.s32 $0x1C900  }
0x8: {  	s23 =	simm.s32 $0x1D900;
	s24 =	simm.s32 $0x1E100;
	s28 =	simm.s32 $0x6  }
0x9: {  	s29 =	simm.s32 $0x7;
	s30 =	simm.s32 $0x8;
	s31 =	simm.s32 $0x9  }
0xa: {  	s11 =	simm.s32 $0x0;
	s2 =	sand.u32 $0x1, s2;
	s5 =	sshll.u32 s10, $0xA  }
0xb: {  	[smem:$0x7FF] =	sst s4;
	s8 =	sadd.s32 $0x600, s1;
	s10 =	sshll.u32 s10, $0xF  }
0xc: {  	s6 =	sshll.u32 s2, $0x9;
	s7 =	ssub.s32 $0x2, s2;
	_ =	strace $0x80000047  }
0xd: {  	s0 =	sadd.s32 s10, s0;
	s2 =	sshll.u32 s2, $0xE;
	s5 =	sor.u32 s6, s5  }
.Ltmp0:
0xe: {  	s25 =	sshrl.u32 s7, $0x1;
	s6 =	sadd.s32 $0x200, s1;
	(pc) =	sbr.rel .LBB2_1-.Ltmp0, $4  }
0xf: {  	s10 =	sadd.s32 s2, s0;
	s0 =	simm.s32 $0xA;
	s5 =	sshrl.u32 s5, $0x3  }
0x10: {  	v0 =	vlaneseq.u32;
	s2 =	simm.s32 $0xB;
	s9 =	ssub.s32 s7, s25;
	s5 =	sadd.s32 s1, s5  }
0x11: {  	vm0 =	vmmov $0xffff;
	v2 =	vshrl.u32 v0, $0x3;
	s7 =	sadd.s32 $0x400, s1;
	s26 =	smax.u32 s9, $0x1;
	[dreg:$0x4] =	wrdreg s5  }
0x12: {  	v1 =	vand.u32 $0x7, v0;
	v3 =	vor.u32 $0x8, v0;
	v2 =	vmul.u32 $0x8, v2;
	s25 =	simm.s32 $0x4;
	[dreg:$0x5] =	wrdreg s26;
	s26 =	simm.s32 $0x5  }
.LBB2_11:
0x13: {  	_ =	swait.ge [sflag:s30], $0x1000  }
0x14: {  	[sflag:s30] =	ssyncset.done $0x0  }
0x15: {  	[sflag:s30] =	ssyncadd.s32 $0xFFFFF000  }
0x16: {  	_ =	swait.ge [sflag:s31], $0x1000  }
0x17: {  	[sflag:s31] =	ssyncset.done $0x0  }
0x18: {  	[sflag:s31] =	ssyncadd.s32 $0xFFFFF000  }
0x19: {  	_ =	swait.ge [sflag:s0], $0x1000  }
0x1a: {  	[sflag:s0] =	ssyncset.done $0x0  }
0x1b: {  	[sflag:s0] =	ssyncadd.s32 $0xFFFFF000  }
0x1c: {  	_ =	swait.ge [sflag:s2], $0x1000  }
0x1d: {  	s11 =	sadd.s32 $0x1, s11;
	s1 =	rddreg [dreg:$0x5]  }
0x1e: {  	p0 =	sne.s32 s11, s1  }
.Ltmp1:
0x1f: {  	_ = 	snop;
	(pc) =	sbr.rel @!p0 .LBB2_12-.Ltmp1, $3  }
0x20: {  	_ =	sdelay $0x1  }
0x21: {  	[sflag:s2] =	ssyncset.done $0x0  }
0x22: {  	[sflag:s2] =	ssyncadd.s32 $0xFFFFF000  }
.LBB2_1:
0x23: {  	s1 =	rddreg [dreg:$0x4]  }
0x24: {  	[tilespmem:s4], [sflag:$0x1] =	stream.linear.gather [hbm4b:s1+s4], $0x200, $0x38;
	[tilespmem:$0x1E900] =	vst v63  }
0x25: {  	s22 =	rddreg [dreg:$0x0];
	s5 =	simm.s32 $0x200  }
0x26: {  	[tilespmem:s5], [sflag:$0x2] =	stream.linear.gather [hbm4b:s22+s4], $0x1000, $0x38;
	[tilespmem:$0x1E900] =	vst v63  }
0x27: {  	p0 =	por $0x1, $0x1;
	s18 =	simm.s32 $0x0;
	s22 =	smov.u32 s6  }
.LBB2_2:
0x28: {  	s20 =	simm.s32 $0x0  }
0x29: {  	[tilespmem:s12], [sflag:$0x3] =	stream.linear.gather [hbm4b:s22+s20], $0x1000, $0x38;
	[tilespmem:$0x1E900] =	vst v63  }
0x2a: {  	_ =	swait.ge [sflag:s13], $0x1000  }
0x2b: {  	[sflag:s13] =	ssyncset.done $0x0  }
0x2c: {  	s22 =	simm.s32 $0x280;
	[sflag:s13] =	ssyncadd.s32 $0xFFFFF000  }
.LBB2_3:
0x2d: {  	v4 =	vld [tilespmem:s22+$0xFFFFFF80];
	_ =	sdelay $0x5  }
0x2e: {  	s1 =	sadd.s32 s20, s18  }
0x2f: {  	v5 =	vor.u32 s1, v0  }
0x30: {  	[tilespmem:v4+s14+$0x0] =	vst.idx.msk $0xffff, v5  }
0x31: {  	v4 =	vld [tilespmem:s22+$0xFFFFFF90];
	_ =	sdelay $0x5  }
0x32: {  	s5 =	sadd.s32 $0x10, s1  }
0x33: {  	v5 =	vor.u32 s5, v0  }
0x34: {  	[tilespmem:v4+s14+$0x0] =	vst.idx.msk $0xffff, v5  }
0x35: {  	v4 =	vld [tilespmem:s22+$0xFFFFFFA0];
	_ =	sdelay $0x5  }
0x36: {  	s9 =	sadd.s32 $0x20, s1  }
0x37: {  	v5 =	vor.u32 s9, v0  }
0x38: {  	[tilespmem:v4+s14+$0x0] =	vst.idx.msk $0xffff, v5  }
0x39: {  	v4 =	vld [tilespmem:s22+$0xFFFFFFB0];
	_ =	sdelay $0x5  }
0x3a: {  	s9 =	sadd.s32 $0x30, s1  }
0x3b: {  	v5 =	vor.u32 s9, v0  }
0x3c: {  	[tilespmem:v4+s14+$0x0] =	vst.idx.msk $0xffff, v5  }
0x3d: {  	v4 =	vld [tilespmem:s22+$0xFFFFFFC0];
	_ =	sdelay $0x5  }
0x3e: {  	s9 =	sadd.s32 $0x40, s1  }
0x3f: {  	v5 =	vor.u32 s9, v0  }
0x40: {  	[tilespmem:v4+s14+$0x0] =	vst.idx.msk $0xffff, v5  }
0x41: {  	v4 =	vld [tilespmem:s22+$0xFFFFFFD0];
	_ =	sdelay $0x5  }
0x42: {  	s9 =	sadd.s32 $0x50, s1  }
0x43: {  	v5 =	vor.u32 s9, v0  }
0x44: {  	[tilespmem:v4+s14+$0x0] =	vst.idx.msk $0xffff, v5  }
0x45: {  	v4 =	vld [tilespmem:s22+$0xFFFFFFE0];
	_ =	sdelay $0x5  }
0x46: {  	s9 =	sadd.s32 $0x60, s1  }
0x47: {  	v5 =	vor.u32 s9, v0  }
0x48: {  	[tilespmem:v4+s14+$0x0] =	vst.idx.msk $0xffff, v5  }
0x49: {  	v4 =	vld [tilespmem:s22+$0xFFFFFFF0];
	_ =	sdelay $0x5  }
0x4a: {  	s9 =	sadd.s32 $0x70, s1  }
0x4b: {  	v5 =	vor.u32 s9, v0  }
0x4c: {  	[tilespmem:v4+s14+$0x0] =	vst.idx.msk $0xffff, v5  }
0x4d: {  	v4 =	vld [tilespmem:s22+$0x0];
	_ =	sdelay $0x5  }
0x4e: {  	s9 =	sadd.s32 $0x80, s1  }
0x4f: {  	v5 =	vor.u32 s9, v0  }
0x50: {  	[tilespmem:v4+s14+$0x0] =	vst.idx.msk $0xffff, v5  }
0x51: {  	v4 =	vld [tilespmem:s22+$0x10];
	_ =	sdelay $0x5  }
0x52: {  	s9 =	sadd.s32 $0x90, s1  }
0x53: {  	v5 =	vor.u32 s9, v0  }
0x54: {  	[tilespmem:v4+s14+$0x0] =	vst.idx.msk $0xffff, v5  }
0x55: {  	v4 =	vld [tilespmem:s22+$0x20];
	_ =	sdelay $0x5  }
0x56: {  	s9 =	sadd.s32 $0xA0, s1  }
0x57: {  	v5 =	vor.u32 s9, v0  }
0x58: {  	[tilespmem:v4+s14+$0x0] =	vst.idx.msk $0xffff, v5  }
0x59: {  	v4 =	vld [tilespmem:s22+$0x30];
	_ =	sdelay $0x5  }
0x5a: {  	s9 =	sadd.s32 $0xB0, s1  }
0x5b: {  	v5 =	vor.u32 s9, v0  }
0x5c: {  	[tilespmem:v4+s14+$0x0] =	vst.idx.msk $0xffff, v5  }
0x5d: {  	v4 =	vld [tilespmem:s22+$0x40];
	_ =	sdelay $0x5  }
0x5e: {  	s9 =	sadd.s32 $0xC0, s1  }
0x5f: {  	v5 =	vor.u32 s9, v0  }
0x60: {  	[tilespmem:v4+s14+$0x0] =	vst.idx.msk $0xffff, v5  }
0x61: {  	v4 =	vld [tilespmem:s22+$0x50];
	_ =	sdelay $0x5  }
0x62: {  	s9 =	sadd.s32 $0xD0, s1  }
0x63: {  	v5 =	vor.u32 s9, v0  }
0x64: {  	[tilespmem:v4+s14+$0x0] =	vst.idx.msk $0xffff, v5  }
0x65: {  	v4 =	vld [tilespmem:s22+$0x60];
	_ =	sdelay $0x5  }
0x66: {  	s9 =	sadd.s32 $0xE0, s1  }
0x67: {  	v5 =	vor.u32 s9, v0  }
0x68: {  	[tilespmem:v4+s14+$0x0] =	vst.idx.msk $0xffff, v5  }
0x69: {  	v4 =	vld [tilespmem:s22+$0x70];
	_ =	sdelay $0x2  }
0x6a: {  	p1 =	sne.s32 s20, $0xF00  }
.Ltmp2:
0x6b: {  	_ = 	snop;
	(pc) =	sbr.rel @p1 .LBB2_3-.Ltmp2, $4  }
0x6c: {  	_ = 	snop  }
0x6d: {  	s1 =	sadd.s32 $0xF0, s1  }
0x6e: {  	v5 =	vor.u32 s1, v0  }
0x6f: {  	s20 =	sadd.s32 $0x100, s20;
	s22 =	sadd.s32 $0x100, s22;
	[tilespmem:v4+s14+$0x0] =	vst.idx.msk $0xffff, v5  }
0x70: {  	s1 =	simm.s32 @p0 $0x0;
	s5 =	simm.s32 @p0 $0x200  }
0x71: {  	[tilespmem:s5], [sflag:$0x2] =	stream.linear.gather @p0 [hbm4b:s7+s1], $0x1000, $0x38;
	[tilespmem:$0x1E900] =	vst v63  }
0x72: {  	_ =	swait.ge [sflag:s15], $0x1000  }
0x73: {  	[sflag:s15] =	ssyncset.done $0x0  }
0x74: {  	s20 =	simm.s32 $0x0;
	s22 =	simm.s32 $0x1280;
	[sflag:s15] =	ssyncadd.s32 $0xFFFFF000  }
.LBB2_5:
0x75: {  	v4 =	vld [tilespmem:s22+$0xFFFFFF80];
	_ =	sdelay $0x4  }
0x76: {  	s1 =	sadd.s32 s20, s18  }
0x77: {  	s5 =	sadd.s32 $0x1000, s1  }
0x78: {  	v5 =	vor.u32 s5, v0  }
0x79: {  	[tilespmem:v4+s14+$0x0] =	vst.idx.msk $0xffff, v5  }
0x7a: {  	v4 =	vld [tilespmem:s22+$0xFFFFFF90];
	_ =	sdelay $0x5  }
0x7b: {  	s9 =	sadd.s32 $0x1010, s1  }
0x7c: {  	v5 =	vor.u32 s9, v0  }
0x7d: {  	[tilespmem:v4+s14+$0x0] =	vst.idx.msk $0xffff, v5  }
0x7e: {  	v4 =	vld [tilespmem:s22+$0xFFFFFFA0];
	_ =	sdelay $0x5  }
0x7f: {  	s9 =	sadd.s32 $0x1020, s1  }
0x80: {  	v5 =	vor.u32 s9, v0  }
0x81: {  	[tilespmem:v4+s14+$0x0] =	vst.idx.msk $0xffff, v5  }
0x82: {  	v4 =	vld [tilespmem:s22+$0xFFFFFFB0];
	_ =	sdelay $0x5  }
0x83: {  	s9 =	sadd.s32 $0x1030, s1  }
0x84: {  	v5 =	vor.u32 s9, v0  }
0x85: {  	[tilespmem:v4+s14+$0x0] =	vst.idx.msk $0xffff, v5  }
0x86: {  	v4 =	vld [tilespmem:s22+$0xFFFFFFC0];
	_ =	sdelay $0x5  }
0x87: {  	s9 =	sadd.s32 $0x1040, s1  }
0x88: {  	v5 =	vor.u32 s9, v0  }
0x89: {  	[tilespmem:v4+s14+$0x0] =	vst.idx.msk $0xffff, v5  }
0x8a: {  	v4 =	vld [tilespmem:s22+$0xFFFFFFD0];
	_ =	sdelay $0x5  }
0x8b: {  	s9 =	sadd.s32 $0x1050, s1  }
0x8c: {  	v5 =	vor.u32 s9, v0  }
0x8d: {  	[tilespmem:v4+s14+$0x0] =	vst.idx.msk $0xffff, v5  }
0x8e: {  	v4 =	vld [tilespmem:s22+$0xFFFFFFE0];
	_ =	sdelay $0x5  }
0x8f: {  	s9 =	sadd.s32 $0x1060, s1  }
0x90: {  	v5 =	vor.u32 s9, v0  }
0x91: {  	[tilespmem:v4+s14+$0x0] =	vst.idx.msk $0xffff, v5  }
0x92: {  	v4 =	vld [tilespmem:s22+$0xFFFFFFF0];
	_ =	sdelay $0x5  }
0x93: {  	s9 =	sadd.s32 $0x1070, s1  }
0x94: {  	v5 =	vor.u32 s9, v0  }
0x95: {  	[tilespmem:v4+s14+$0x0] =	vst.idx.msk $0xffff, v5  }
0x96: {  	v4 =	vld [tilespmem:s22+$0x0];
	_ =	sdelay $0x5  }
0x97: {  	s9 =	sadd.s32 $0x1080, s1  }
0x98: {  	v5 =	vor.u32 s9, v0  }
0x99: {  	[tilespmem:v4+s14+$0x0] =	vst.idx.msk $0xffff, v5  }
0x9a: {  	v4 =	vld [tilespmem:s22+$0x10];
	_ =	sdelay $0x5  }
0x9b: {  	s9 =	sadd.s32 $0x1090, s1  }
0x9c: {  	v5 =	vor.u32 s9, v0  }
0x9d: {  	[tilespmem:v4+s14+$0x0] =	vst.idx.msk $0xffff, v5  }
0x9e: {  	v4 =	vld [tilespmem:s22+$0x20];
	_ =	sdelay $0x5  }
0x9f: {  	s9 =	sadd.s32 $0x10A0, s1  }
0xa0: {  	v5 =	vor.u32 s9, v0  }
0xa1: {  	[tilespmem:v4+s14+$0x0] =	vst.idx.msk $0xffff, v5  }
0xa2: {  	v4 =	vld [tilespmem:s22+$0x30];
	_ =	sdelay $0x5  }
0xa3: {  	s9 =	sadd.s32 $0x10B0, s1  }
0xa4: {  	v5 =	vor.u32 s9, v0  }
0xa5: {  	[tilespmem:v4+s14+$0x0] =	vst.idx.msk $0xffff, v5  }
0xa6: {  	v4 =	vld [tilespmem:s22+$0x40];
	_ =	sdelay $0x5  }
0xa7: {  	s9 =	sadd.s32 $0x10C0, s1  }
0xa8: {  	v5 =	vor.u32 s9, v0  }
0xa9: {  	[tilespmem:v4+s14+$0x0] =	vst.idx.msk $0xffff, v5  }
0xaa: {  	v4 =	vld [tilespmem:s22+$0x50];
	_ =	sdelay $0x5  }
0xab: {  	s9 =	sadd.s32 $0x10D0, s1  }
0xac: {  	v5 =	vor.u32 s9, v0  }
0xad: {  	[tilespmem:v4+s14+$0x0] =	vst.idx.msk $0xffff, v5  }
0xae: {  	v4 =	vld [tilespmem:s22+$0x60];
	_ =	sdelay $0x5  }
0xaf: {  	s9 =	sadd.s32 $0x10E0, s1  }
0xb0: {  	v5 =	vor.u32 s9, v0  }
0xb1: {  	[tilespmem:v4+s14+$0x0] =	vst.idx.msk $0xffff, v5  }
0xb2: {  	v4 =	vld [tilespmem:s22+$0x70];
	_ =	sdelay $0x2  }
0xb3: {  	p1 =	sne.s32 s20, $0xF00  }
.Ltmp3:
0xb4: {  	_ = 	snop;
	(pc) =	sbr.rel @p1 .LBB2_5-.Ltmp3, $4  }
0xb5: {  	_ = 	snop  }
0xb6: {  	s1 =	sadd.s32 $0x10F0, s1  }
0xb7: {  	v5 =	vor.u32 s1, v0  }
0xb8: {  	s20 =	sadd.s32 $0x100, s20;
	s22 =	sadd.s32 $0x100, s22;
	[tilespmem:v4+s14+$0x0] =	vst.idx.msk $0xffff, v5  }
.Ltmp4:
0xb9: {  	(pc) =	sbr.rel @!p0 .LBB2_8-.Ltmp4, $1  }
0xba: {  	_ =	sdelay $0x3  }
.Ltmp5:
0xbb: {  	(pc) =	sbr.rel .LBB2_2-.Ltmp5, $2  }
0xbc: {  	_ =	sdelay $0x2  }
0xbd: {  	s18 =	simm.s32 $0x2000;
	p0 =	por $0x0, $0x0;
	s22 =	smov.u32 s8  }
.LBB2_8:
0xbe: {  	_ =	swait.ge [sflag:s16], $0x200  }
0xbf: {  	[sflag:s16] =	ssyncset.done $0x0  }
0xc0: {  	[sflag:s16] =	ssyncadd.s32 $0xFFFFFE00  }
0xc1: {  	v4 =	vld [tilespmem:$0x0];
	_ =	sdelay $0x7  }
0xc2: {  	v4 =	vld.idx.msk [tilespmem:v4+s14+$0x0], $0xffff;
	_ =	sdelay $0x4  }
0xc3: {  	v5 =	vshll.u32 v4, $0x1  }
0xc4: {  	v4 =	vand.u32 $0x7, v4;
	v5 =	vand.u32 $0xFFFFFFF0, v5  }
0xc5: {  	v4 =	vor.u32 v4, v5  }
0xc6: {  	v5 =	vperm.xlane v4, v1;
	_ =	sdelay $0x1  }
0xc7: {  	v4 =	vperm.xlane v4, v3;
	v5 =	vadd.s32 v2, v5;
	_ =	sdelay $0x1  }
0xc8: {  	v4 =	vadd.s32 v2, v4;
	_ =	sdelay $0x1  }
0xc9: {  	s18 =	simm.s32 $0x0  }
0xca: {  	[tilespmem:s17], [sflag:$0x4] =	stream.indirect_vreg.gather [hbm4b:s3+s18], $0x80, v5, vm0, $0xb8;
	[tilespmem:$0x1E900] =	vst v63  }
0xcb: {  	s1 =	simm.s32 $0x1B100  }
0xcc: {  	[tilespmem:s1], [sflag:$0x4] =	stream.indirect_vreg.gather [hbm4b:s3+s18], $0x80, v4, vm0, $0xb8;
	[tilespmem:$0x1E900] =	vst v63  }
0xcd: {  	v4 =	vld [tilespmem:$0x10];
	_ =	sdelay $0x7  }
0xce: {  	v4 =	vld.idx.msk [tilespmem:v4+s14+$0x0], $0xffff;
	_ =	sdelay $0x4  }
0xcf: {  	v5 =	vshll.u32 v4, $0x1  }
0xd0: {  	v4 =	vand.u32 $0x7, v4;
	v5 =	vand.u32 $0xFFFFFFF0, v5  }
0xd1: {  	v4 =	vor.u32 v4, v5  }
0xd2: {  	v5 =	vperm.xlane v4, v1;
	_ =	sdelay $0x1  }
0xd3: {  	v4 =	vperm.xlane v4, v3;
	v5 =	vadd.s32 v2, v5;
	_ =	sdelay $0x1  }
0xd4: {  	v4 =	vadd.s32 v2, v4;
	_ =	sdelay $0x2  }
0xd5: {  	[tilespmem:s19], [sflag:$0x5] =	stream.indirect_vreg.gather [hbm4b:s3+s18], $0x80, v5, vm0, $0xb8;
	[tilespmem:$0x1E900] =	vst v63  }
0xd6: {  	s20 =	simm.s32 $0x1C100  }
0xd7: {  	[tilespmem:s20], [sflag:$0x5] =	stream.indirect_vreg.gather [hbm4b:s3+s18], $0x80, v4, vm0, $0xb8;
	[tilespmem:$0x1E900] =	vst v63  }
0xd8: {  	v4 =	vld [tilespmem:$0x20];
	_ =	sdelay $0x7  }
0xd9: {  	v4 =	vld.idx.msk [tilespmem:v4+s14+$0x0], $0xffff;
	_ =	sdelay $0x4  }
0xda: {  	v5 =	vshll.u32 v4, $0x1  }
0xdb: {  	v4 =	vand.u32 $0x7, v4;
	v5 =	vand.u32 $0xFFFFFFF0, v5  }
0xdc: {  	v4 =	vor.u32 v4, v5  }
0xdd: {  	v5 =	vperm.xlane v4, v1;
	_ =	sdelay $0x1  }
0xde: {  	v4 =	vperm.xlane v4, v3;
	v5 =	vadd.s32 v2, v5;
	_ =	sdelay $0x1  }
0xdf: {  	v4 =	vadd.s32 v2, v4;
	_ =	sdelay $0x2  }
0xe0: {  	[tilespmem:s21], [sflag:$0x6] =	stream.indirect_vreg.gather [hbm4b:s3+s18], $0x80, v5, vm0, $0xb8;
	[tilespmem:$0x1E900] =	vst v63  }
0xe1: {  	s22 =	simm.s32 $0x1D100  }
0xe2: {  	[tilespmem:s22], [sflag:$0x6] =	stream.indirect_vreg.gather [hbm4b:s3+s18], $0x80, v4, vm0, $0xb8;
	[tilespmem:$0x1E900] =	vst v63  }
0xe3: {  	v4 =	vld [tilespmem:$0x30];
	_ =	sdelay $0x7  }
0xe4: {  	v4 =	vld.idx.msk [tilespmem:v4+s14+$0x0], $0xffff;
	_ =	sdelay $0x4  }
0xe5: {  	v5 =	vshll.u32 v4, $0x1  }
0xe6: {  	v4 =	vand.u32 $0x7, v4;
	v5 =	vand.u32 $0xFFFFFFF0, v5  }
0xe7: {  	v4 =	vor.u32 v4, v5  }
0xe8: {  	v5 =	vperm.xlane v4, v1;
	_ =	sdelay $0x1  }
0xe9: {  	v4 =	vperm.xlane v4, v3;
	v5 =	vadd.s32 v2, v5;
	_ =	sdelay $0x1  }
0xea: {  	v4 =	vadd.s32 v2, v4;
	_ =	sdelay $0x2  }
0xeb: {  	[tilespmem:s23], [sflag:$0x7] =	stream.indirect_vreg.gather [hbm4b:s3+s18], $0x80, v5, vm0, $0xb8;
	[tilespmem:$0x1E900] =	vst v63  }
0xec: {  	s20 =	simm.s32 $0x70  }
0xed: {  	[tilespmem:s24], [sflag:$0x7] =	stream.indirect_vreg.gather [hbm4b:s3+s18], $0x80, v4, vm0, $0xb8;
	[tilespmem:$0x1E900] =	vst v63  }
.LBB2_9:
0xee: {  	_ =	swait.ge [sflag:s25], $0x1000  }
0xef: {  	p0 =	seq.s32 s18, $0x3800;
	[sflag:s25] =	ssyncset.done $0x0  }
0xf0: {  	s22 =	sadd.s32 s18, s10;
	s1 =	simm.s32 @!p0 $0x8;
	[sflag:s25] =	ssyncadd.s32 $0xFFFFF000  }
0xf1: {  	[hbm4b:s22+s4] =	stream.linear.scatter [tilespmem:s17], [sflag:$0x8], $0x1000, $0x38;
	[tilespmem:$0x1E900] =	vst v63  }
0xf2: {  	_ =	swait.ge @!p0 [sflag:s1], $0x1000  }
0xf3: {  	[sflag:s1] =	ssyncset.done @!p0 $0x0  }
0xf4: {  	[sflag:s1] =	ssyncadd.s32 @!p0 $0xFFFFF000  }
0xf5: {  	v4 =	vld @!p0 [tilespmem:s20+$0xFFFFFFD0];
	_ =	sdelay $0x6  }
0xf6: {  	s1 =	simm.s32 @!p0 $0x2200  }
0xf7: {  	v4 =	vld.idx.msk @!p0 [tilespmem:v4+s1+$0x0], $0xffff;
	_ =	sdelay $0x4  }
0xf8: {  	v5 =	vshll.u32 @!p0 v4, $0x1  }
0xf9: {  	v6 =	vlaneseq.u32 @!p0;
	v4 =	vand.u32 @!p0 $0x7, v4;
	v5 =	vand.u32 @!p0 $0xFFFFFFF0, v5  }
0xfa: {  	v7 =	vshrl.u32 @!p0 v6, $0x3;
	v4 =	vor.u32 @!p0 v4, v5;
	v5 =	vand.u32 @!p0 $0x7, v6  }
0xfb: {  	v7 =	vmul.u32 @!p0 $0x8, v7;
	v8 =	vperm.xlane @!p0 v4, v5  }
0xfc: {  	v6 =	vor.u32 @!p0 $0x8, v6  }
0xfd: {  	v4 =	vperm.xlane @!p0 v4, v6;
	v8 =	vadd.s32 @!p0 v7, v8;
	_ =	sdelay $0x1  }
0xfe: {  	v4 =	vadd.s32 @!p0 v7, v4;
	_ =	sdelay $0x1  }
0xff: {  	vm1 =	vmmov @!p0 $0xffff;
	s5 =	simm.s32 @!p0 $0x0;
	s9 =	simm.s32 @!p0 $0x1A900  }
0x100: {  	[tilespmem:s9], [sflag:$0x4] =	stream.indirect_vreg.gather @!p0 [hbm4b:s3+s5], $0x80, v8, vm1, $0xb8;
	[tilespmem:$0x1E900] =	vst v63  }
0x101: {  	s9 =	simm.s32 @!p0 $0x1B100  }
0x102: {  	[tilespmem:s9], [sflag:$0x4] =	stream.indirect_vreg.gather @!p0 [hbm4b:s3+s5], $0x80, v4, vm1, $0xb8;
	[tilespmem:$0x1E900] =	vst v63  }
0x103: {  	_ =	swait.ge [sflag:s26], $0x1000  }
0x104: {  	[sflag:s26] =	ssyncset.done $0x0  }
0x105: {  	s9 =	sadd.s32 $0x200, s22;
	[sflag:s26] =	ssyncadd.s32 $0xFFFFF000  }
0x106: {  	[hbm4b:s9+s4] =	stream.linear.scatter [tilespmem:s19], [sflag:$0x9], $0x1000, $0x38;
	[tilespmem:$0x1E900] =	vst v63  }
0x107: {  	s9 =	simm.s32 @!p0 $0x9  }
0x108: {  	_ =	swait.ge @!p0 [sflag:s9], $0x1000  }
0x109: {  	[sflag:s9] =	ssyncset.done @!p0 $0x0  }
0x10a: {  	[sflag:s9] =	ssyncadd.s32 @!p0 $0xFFFFF000  }
0x10b: {  	v4 =	vld @!p0 [tilespmem:s20+$0xFFFFFFE0];
	_ =	sdelay $0x7  }
0x10c: {  	v4 =	vld.idx.msk @!p0 [tilespmem:v4+s1+$0x0], $0xffff;
	_ =	sdelay $0x4  }
0x10d: {  	v8 =	vshll.u32 @!p0 v4, $0x1  }
0x10e: {  	v4 =	vand.u32 @!p0 $0x7, v4;
	v8 =	vand.u32 @!p0 $0xFFFFFFF0, v8  }
0x10f: {  	v4 =	vor.u32 @!p0 v4, v8  }
0x110: {  	v8 =	vperm.xlane @!p0 v4, v5;
	_ =	sdelay $0x1  }
0x111: {  	v4 =	vperm.xlane @!p0 v4, v6;
	v8 =	vadd.s32 @!p0 v7, v8;
	_ =	sdelay $0x1  }
0x112: {  	v4 =	vadd.s32 @!p0 v7, v4;
	_ =	sdelay $0x1  }
0x113: {  	s9 =	simm.s32 @!p0 $0x1B900  }
0x114: {  	[tilespmem:s9], [sflag:$0x5] =	stream.indirect_vreg.gather @!p0 [hbm4b:s3+s5], $0x80, v8, vm1, $0xb8;
	[tilespmem:$0x1E900] =	vst v63  }
0x115: {  	s9 =	simm.s32 @!p0 $0x1C100  }
0x116: {  	[tilespmem:s9], [sflag:$0x5] =	stream.indirect_vreg.gather @!p0 [hbm4b:s3+s5], $0x80, v4, vm1, $0xb8;
	[tilespmem:$0x1E900] =	vst v63  }
0x117: {  	_ =	swait.ge [sflag:s28], $0x1000  }
0x118: {  	[sflag:s28] =	ssyncset.done $0x0  }
0x119: {  	s9 =	sadd.s32 $0x400, s22;
	[sflag:s28] =	ssyncadd.s32 $0xFFFFF000  }
0x11a: {  	[hbm4b:s9+s4] =	stream.linear.scatter [tilespmem:s21], [sflag:$0xA], $0x1000, $0x38;
	[tilespmem:$0x1E900] =	vst v63  }
0x11b: {  	s9 =	simm.s32 @!p0 $0xA  }
0x11c: {  	_ =	swait.ge @!p0 [sflag:s9], $0x1000  }
0x11d: {  	[sflag:s9] =	ssyncset.done @!p0 $0x0  }
0x11e: {  	[sflag:s9] =	ssyncadd.s32 @!p0 $0xFFFFF000  }
0x11f: {  	v4 =	vld @!p0 [tilespmem:s20+$0xFFFFFFF0];
	_ =	sdelay $0x7  }
0x120: {  	v4 =	vld.idx.msk @!p0 [tilespmem:v4+s1+$0x0], $0xffff;
	_ =	sdelay $0x4  }
0x121: {  	v8 =	vshll.u32 @!p0 v4, $0x1  }
0x122: {  	v4 =	vand.u32 @!p0 $0x7, v4;
	v8 =	vand.u32 @!p0 $0xFFFFFFF0, v8  }
0x123: {  	v4 =	vor.u32 @!p0 v4, v8  }
0x124: {  	v5 =	vperm.xlane @!p0 v4, v5;
	_ =	sdelay $0x1  }
0x125: {  	v4 =	vperm.xlane @!p0 v4, v6;
	v5 =	vadd.s32 @!p0 v7, v5;
	_ =	sdelay $0x1  }
0x126: {  	v4 =	vadd.s32 @!p0 v7, v4;
	_ =	sdelay $0x1  }
0x127: {  	s1 =	simm.s32 @!p0 $0x1C900  }
0x128: {  	[tilespmem:s1], [sflag:$0x6] =	stream.indirect_vreg.gather @!p0 [hbm4b:s3+s5], $0x80, v5, vm1, $0xb8;
	[tilespmem:$0x1E900] =	vst v63  }
0x129: {  	s1 =	simm.s32 @!p0 $0x1D100  }
0x12a: {  	[tilespmem:s1], [sflag:$0x6] =	stream.indirect_vreg.gather @!p0 [hbm4b:s3+s5], $0x80, v4, vm1, $0xb8;
	[tilespmem:$0x1E900] =	vst v63  }
.Ltmp6:
0x12b: {  	_ = 	snop;
	(pc) =	sbr.rel @p0 .LBB2_11-.Ltmp6, $4  }
0x12c: {  	_ =	swait.ge [sflag:s29], $0x1000  }
0x12d: {  	[sflag:s29] =	ssyncset.done $0x0  }
0x12e: {  	s22 =	sadd.s32 $0x600, s22;
	[sflag:s29] =	ssyncadd.s32 $0xFFFFF000  }
0x12f: {  	[hbm4b:s22+s4] =	stream.linear.scatter [tilespmem:s23], [sflag:$0xB], $0x1000, $0x38;
	[tilespmem:$0x1E900] =	vst v63  }
0x130: {  	_ =	swait.ge [sflag:s2], $0x1000  }
0x131: {  	[sflag:s2] =	ssyncset.done $0x0  }
0x132: {  	[sflag:s2] =	ssyncadd.s32 $0xFFFFF000  }
0x133: {  	v4 =	vld [tilespmem:s20+$0x0];
	_ =	sdelay $0x7  }
0x134: {  	v4 =	vld.idx.msk [tilespmem:v4+s14+$0x0], $0xffff;
	_ =	sdelay $0x4  }
0x135: {  	v5 =	vshll.u32 v4, $0x1  }
0x136: {  	v4 =	vand.u32 $0x7, v4;
	v5 =	vand.u32 $0xFFFFFFF0, v5  }
0x137: {  	v4 =	vor.u32 v4, v5  }
0x138: {  	v5 =	vperm.xlane v4, v1;
	_ =	sdelay $0x1  }
0x139: {  	v4 =	vperm.xlane v4, v3;
	v5 =	vadd.s32 v2, v5;
	_ =	sdelay $0x1  }
0x13a: {  	v4 =	vadd.s32 v2, v4  }
.Ltmp7:
0x13b: {  	_ = 	snop;
	(pc) =	sbr.rel .LBB2_9-.Ltmp7, $4  }
0x13c: {  	_ = 	snop  }
0x13d: {  	[tilespmem:s23], [sflag:$0x7] =	stream.indirect_vreg.gather [hbm4b:s3+s4], $0x80, v5, vm0, $0xb8;
	[tilespmem:$0x1E900] =	vst v63  }
0x13e: {  	s18 =	sadd.s32 $0x800, s18;
	s20 =	sadd.s32 $0x40, s20  }
0x13f: {  	[tilespmem:s24], [sflag:$0x7] =	stream.indirect_vreg.gather [hbm4b:s3+s4], $0x80, v4, vm0, $0xb8;
	[tilespmem:$0x1E900] =	vst v63  }
.LBB2_12:
0x140: {  	_ =	sfence.sel $0x180000  }
0x141: {  	[bflag:$0x0] =	sbarrier.arrive $0xFFFF  }
0x142: {  	_ =	strace $0x90000047  }
0x143: {  	s0 =	stileid.u32;
	[bflag:$0x2] =	sbarrier.arrive $0xFFFF  }
0x144: {  	p0 =	sne.s32 s0, $0x0;
	s0 =	rddreg [dreg:$0x3]  }
0x145: {  	s0 =	sadd.s32 @!p0 $0x100000, s0  }
0x146: {  	[sflag:s0] =	ssyncadd.tile.s32 @!p0 $0x1;
	_ =	shalt  }
.Lfunc_end2:
_tile_overlayer_lowered:
.L_overlay_start_2:
0x147: {  	(tag) =	ssettag $0x2  }
0x148: {  	s0 =	rddreg [dreg:$0x0];
	s2 =	stileid.u32  }
0x149: {  	s1 =	rddreg [dreg:$0x1];
	p0 =	sne.s32 s2, $0x0  }
0x14a: {  	s3 =	rddreg [dreg:$0x2];
	[bflag:$0x3] =	sbarrier.arrive $0xFFFF;
	s2 =	simm.s32 @!p0 $0x1C0C  }
0x14b: {  	[timem:s3], [sflag:s2] =	dma.local @!p0 [hbm:s0], s1  }
0x14c: {  	s0 =	simm.s32 @!p0 $0xC  }
0x14d: {  	_ =	swait.ge @!p0 [sflag:s0], s1  }
0x14e: {  	s1 =	ssub.s32 @!p0 $0x0, s1;
	[sflag:s0] =	ssyncset.done @!p0 $0x0  }
0x14f: {  	[sflag:s0] =	ssyncadd.s32 @!p0 s1  }
0x150: {  	[bflag:$0x3] =	sbarrier.arrive $0xFFFF  }
0x151: {  	_ =	shalt  }

</sc_bundles>
